<compile_context>
chip_gen: v7x
topology: tpu7x:2x2x1
jax: 0.10.2.dev20260603
libtpu: 0.0.44.dev20260713+nightly
codegen_flags: <defaults>
</compile_context>

<pallas_src>
import jax
import jax.numpy as jnp
from jax import lax
from jax.experimental import pallas as pl
from jax.experimental.pallas import tpu as pltpu
from jax.experimental.pallas import tpu_sc as plsc

B, L = 4096, 200
DIM = 64
HIDDEN, OUT = 1000, 10

NC, NS, LANES = 2, 16, 16
NW = NC * NS
SPB = B // NW
LA, LB = 128, 72
NCH = DIM // LANES
NBUF = 4
UNROLL = 8


def _pool_body(xa_hbm, xb_hbm, emb_hbm, out_hbm, idx_a, idx_b, rows, out_v,
               sems):
    wid = lax.axis_index("s") * NC + lax.axis_index("c")
    base = wid * SPB
    pltpu.sync_copy(xa_hbm.at[pl.ds(base * LA, SPB * LA)], idx_a)
    pltpu.sync_copy(xb_hbm.at[pl.ds(base * LA, SPB * LA)], idx_b)

    def fire(s, b):
        pltpu.async_copy(emb_hbm.at[idx_a.at[pl.ds(s * LA, LA)]],
                         rows[b].at[pl.ds(0, LA)], sems[b])
        pltpu.async_copy(emb_hbm.at[idx_b.at[pl.ds(s * LA, LB)]],
                         rows[b].at[pl.ds(LA, LB)], sems[b])

    def drain(b):
        pltpu.make_async_copy(emb_hbm.at[idx_a.at[pl.ds(0, LA)]],
                              rows[b].at[pl.ds(0, LA)], sems[b]).wait()
        pltpu.make_async_copy(emb_hbm.at[idx_b.at[pl.ds(0, LB)]],
                              rows[b].at[pl.ds(LA, LB)], sems[b]).wait()

    zero = jnp.zeros((LANES,), jnp.float32)

    def sumbuf(b, s):
        buf = rows[b]

        def row_body(rr, accs):
            accs = list(accs)
            for u in range(UNROLL):
                r = rr * UNROLL + u
                p = (u & 1) * NCH
                for c in range(NCH):
                    accs[p + c] = accs[p + c] + buf[r, pl.ds(c * LANES, LANES)]
            return tuple(accs)

        accs = lax.fori_loop(0, L // UNROLL, row_body, (zero,) * (2 * NCH))
        for c in range(NCH):
            out_v[s, pl.ds(c * LANES, LANES)] = accs[c] + accs[NCH + c]

    for b in range(NBUF - 1):
        fire(jnp.int32(b), b)

    def quad_body(g, carry):
        s0 = 4 * g
        for b in range(NBUF):
            s = s0 + b
            fire(jnp.minimum(s + NBUF - 1, SPB - 1), (b + NBUF - 1) % NBUF)
            drain(b)
            sumbuf(b, s)
        return carry

    lax.fori_loop(0, SPB // NBUF, quad_body, 0)
    for b in range(NBUF - 1):
        drain(b)
    pltpu.sync_copy(out_v, out_hbm.at[pl.ds(base, SPB)])


def _pool(xa1, xb1, emb):
    mesh = plsc.VectorSubcoreMesh(core_axis_name="c", subcore_axis_name="s",
                                  num_cores=NC, num_subcores=NS)

    def body2(xa_hbm, xb_hbm, emb_hbm, out_hbm, idx_a, idx_b,
              r0, r1, r2, r3, out_v, s0, s1, s2, s3):
        _pool_body(xa_hbm, xb_hbm, emb_hbm, out_hbm, idx_a, idx_b,
                   (r0, r1, r2, r3), out_v, (s0, s1, s2, s3))

    return pl.kernel(
        body2,
        out_type=jax.ShapeDtypeStruct((B, DIM), jnp.float32),
        mesh=mesh,
        scratch_types=[
            pltpu.VMEM((SPB * LA,), jnp.int32),
            pltpu.VMEM((SPB * LA,), jnp.int32),
            pltpu.VMEM((L, DIM), jnp.float32),
            pltpu.VMEM((L, DIM), jnp.float32),
            pltpu.VMEM((L, DIM), jnp.float32),
            pltpu.VMEM((L, DIM), jnp.float32),
            pltpu.VMEM((SPB, DIM), jnp.float32),
            pltpu.SemaphoreType.DMA,
            pltpu.SemaphoreType.DMA,
            pltpu.SemaphoreType.DMA,
            pltpu.SemaphoreType.DMA,
        ],
        compiler_params=pltpu.CompilerParams(use_tc_tiling_on_sc=False),
    )(xa1, xb1, emb)


def _mlp_body(rep_ref, len_ref, W1_ref, b1_ref, W2_ref, b2_ref, out_ref):
    inv = 1.0 / len_ref[...].astype(jnp.float32)
    r = rep_ref[...] * inv
    h = jnp.dot(r, W1_ref[...], preferred_element_type=jnp.float32)
    h = jnp.maximum(h + b1_ref[...], 0.0)
    out_ref[...] = (jnp.dot(h, W2_ref[...], preferred_element_type=jnp.float32)
                    + b2_ref[...])


MLP_BLK = 512


def _mlp(rep, lengths2, W1, b1r, W2, b2r):
    grid = (B // MLP_BLK,)
    return pl.pallas_call(
        _mlp_body,
        grid=grid,
        in_specs=[
            pl.BlockSpec((MLP_BLK, DIM), lambda i: (i, 0)),
            pl.BlockSpec((MLP_BLK, 1), lambda i: (i, 0)),
            pl.BlockSpec((DIM, HIDDEN), lambda i: (0, 0)),
            pl.BlockSpec((1, HIDDEN), lambda i: (0, 0)),
            pl.BlockSpec((HIDDEN, OUT), lambda i: (0, 0)),
            pl.BlockSpec((1, OUT), lambda i: (0, 0)),
        ],
        out_specs=pl.BlockSpec((MLP_BLK, OUT), lambda i: (i, 0)),
        out_shape=jax.ShapeDtypeStruct((B, OUT), jnp.float32),
    )(rep, lengths2, W1, b1r, W2, b2r)


def kernel(x, lengths, emb, W1, b1, W2, b2):
    xi = x.astype(jnp.int32)
    xa = lax.slice_in_dim(xi, 0, LA, axis=1)
    xb = lax.pad(lax.slice_in_dim(xi, LA, L, axis=1),
                 jnp.int32(0), [(0, 0, 0), (0, LA - LB, 0)])
    sums = _pool(xa.reshape(B * LA), xb.reshape(B * LA), emb)
    return _mlp(sums, lengths.reshape(B, 1), W1, b1.reshape(1, HIDDEN),
                W2, b2.reshape(1, OUT))

# --- scband reference (transcript-rebuilt; emitter-appended) ---
"""Pipeline reference for scband-baseline-dnn-12103217840823 (READ-ONLY COPY).

The authoritative reference and input builder live on the scoring server;
editing this copy changes nothing except your own understanding.
"""

import jax, jax.numpy as jnp
import numpy as np

B, L = 4096, 200
VOCAB, DIM = 100000, 64
HIDDEN, OUT = 1000, 10

def setup_inputs(seed: int = 0) -> dict:
    key = jax.random.key(seed)
    k1, k2, k3, k4, k5 = jax.random.split(key, 5)
    x = jax.random.randint(k1, (B, L), 0, VOCAB, dtype=jnp.int64 if jax.config.jax_enable_x64 else jnp.int32)
    lengths = jax.random.randint(k2, (B,), 1, L + 1, dtype=jnp.int64 if jax.config.jax_enable_x64 else jnp.int32)
    emb = jax.random.normal(k3, (VOCAB, DIM), dtype=jnp.float32) * 0.02
    W1 = jax.random.normal(k4, (DIM, HIDDEN), dtype=jnp.float32) * (1.0 / np.sqrt(DIM))
    b1 = jnp.zeros((HIDDEN,), dtype=jnp.float32)
    W2 = jax.random.normal(k5, (HIDDEN, OUT), dtype=jnp.float32) * (1.0 / np.sqrt(HIDDEN))
    b2 = jnp.zeros((OUT,), dtype=jnp.float32)
    return {"x": x, "lengths": lengths, "emb": emb, "W1": W1, "b1": b1, "W2": W2, "b2": b2}

def reference(x, lengths, emb, W1, b1, W2, b2):
    # embedding gather: [B, L, DIM]
    e = jnp.take(emb, x, axis=0)
    # sum over sequence dim then divide per-sample by lengths (matches the torch loop)
    rep = jnp.sum(e, axis=1) / lengths.astype(jnp.float32)[:, None]
    h = jax.nn.relu(rep @ W1 + b1)
    logits = h @ W2 + b2
    return logits

if __name__ == "__main__":
    import jax
    _d = setup_inputs()
    print(jax.jit(kernel)(*tuple(_d.values())))

</pallas_src>

<mosaic_0001>
#map = affine_map<(d0, d1) -> (0)>
#map1 = affine_map<(d0, d1) -> (0, 0)>
module attributes {stable_mosaic.version = 14 : i64} {
  func.func @body2(%arg0: i32, %arg1: i32, %arg2: memref<524288xi32, #tpu.memory_space<hbm>>, %arg3: memref<524288xi32, #tpu.memory_space<hbm>>, %arg4: memref<100000x64xf32, #tpu.memory_space<hbm>>, %arg5: memref<4096x64xf32, #tpu.memory_space<hbm>>, %arg6: memref<16384xi32, #tpu.memory_space<vmem>>, %arg7: memref<16384xi32, #tpu.memory_space<vmem>>, %arg8: memref<200x64xf32, #tpu.memory_space<vmem>>, %arg9: memref<200x64xf32, #tpu.memory_space<vmem>>, %arg10: memref<200x64xf32, #tpu.memory_space<vmem>>, %arg11: memref<200x64xf32, #tpu.memory_space<vmem>>, %arg12: memref<128x64xf32, #tpu.memory_space<vmem>>, %arg13: memref<!tpu.dma_semaphore, #tpu.memory_space<semaphore_mem>>, %arg14: memref<!tpu.dma_semaphore, #tpu.memory_space<semaphore_mem>>, %arg15: memref<!tpu.dma_semaphore, #tpu.memory_space<semaphore_mem>>, %arg16: memref<!tpu.dma_semaphore, #tpu.memory_space<semaphore_mem>>) attributes {dimension_semantics = [#tpu.dimension_semantics<core_parallel>, #tpu.dimension_semantics<subcore_parallel>], iteration_bounds = array<i64: 2, 16>, scalar_prefetch = 0 : i64, scratch_operands = 11 : i64, tpu.core_type = #tpu.core_type<sc_vector_subcore>, window_params = [{transform_indices = #map}, {transform_indices = #map}, {transform_indices = #map1}, {transform_indices = #map1}]} {
    %mul3A = arith.constant 2 : i32
    %mul3A_0 = arith.muli %arg1, %mul3A : i32
    %add3A = arith.addi %mul3A_0, %arg0 : i32
    %mul3A_1 = arith.constant 128 : i32
    %mul3A_2 = arith.muli %add3A, %mul3A_1 : i32
    %mul3A_3 = arith.constant 128 : i32
    %mul3A_4 = arith.muli %mul3A_2, %mul3A_3 : i32
    "tpu.region"() ({
      %run_scoped3A = tpu.sem_alloc : memref<!tpu.dma_semaphore, #tpu.memory_space<semaphore_mem>>
      %dma_start3A_119 = tpu.memref_slice %arg2[%mul3A_4] : memref<524288xi32, #tpu.memory_space<hbm>> -> memref<16384xi32, #tpu.memory_space<hbm>>
      %dma_start3A_120 = tpu.memref_slice %arg2[%mul3A_4] : memref<524288xi32, #tpu.memory_space<hbm>> -> memref<16384xi32, #tpu.memory_space<hbm>>
      tpu.enqueue_dma source(%dma_start3A_120 : memref<16384xi32, #tpu.memory_space<hbm>>) target(%arg6 : memref<16384xi32, #tpu.memory_space<vmem>>) target_semaphore(%run_scoped3A : memref<!tpu.dma_semaphore, #tpu.memory_space<semaphore_mem>>)
      %dma_wait3A_121 = tpu.memref_slice %arg2[%mul3A_4] : memref<524288xi32, #tpu.memory_space<hbm>> -> memref<16384xi32, #tpu.memory_space<hbm>>
      %dma_wait3A_122 = tpu.memref_slice %arg2[%mul3A_4] : memref<524288xi32, #tpu.memory_space<hbm>> -> memref<16384xi32, #tpu.memory_space<hbm>>
      tpu.wait_dma2 semaphore(%run_scoped3A : memref<!tpu.dma_semaphore, #tpu.memory_space<semaphore_mem>>) src(%dma_wait3A_122 : memref<16384xi32, #tpu.memory_space<hbm>>) dst(%arg6 : memref<16384xi32, #tpu.memory_space<vmem>>)
      tpu.yield
    }) : () -> ()
    %mul3A_5 = arith.constant 128 : i32
    %mul3A_6 = arith.muli %mul3A_2, %mul3A_5 : i32
    "tpu.region"() ({
      %run_scoped3A = tpu.sem_alloc : memref<!tpu.dma_semaphore, #tpu.memory_space<semaphore_mem>>
      %dma_start3A_119 = tpu.memref_slice %arg3[%mul3A_6] : memref<524288xi32, #tpu.memory_space<hbm>> -> memref<16384xi32, #tpu.memory_space<hbm>>
      %dma_start3A_120 = tpu.memref_slice %arg3[%mul3A_6] : memref<524288xi32, #tpu.memory_space<hbm>> -> memref<16384xi32, #tpu.memory_space<hbm>>
      tpu.enqueue_dma source(%dma_start3A_120 : memref<16384xi32, #tpu.memory_space<hbm>>) target(%arg7 : memref<16384xi32, #tpu.memory_space<vmem>>) target_semaphore(%run_scoped3A : memref<!tpu.dma_semaphore, #tpu.memory_space<semaphore_mem>>)
      %dma_wait3A_121 = tpu.memref_slice %arg3[%mul3A_6] : memref<524288xi32, #tpu.memory_space<hbm>> -> memref<16384xi32, #tpu.memory_space<hbm>>
      %dma_wait3A_122 = tpu.memref_slice %arg3[%mul3A_6] : memref<524288xi32, #tpu.memory_space<hbm>> -> memref<16384xi32, #tpu.memory_space<hbm>>
      tpu.wait_dma2 semaphore(%run_scoped3A : memref<!tpu.dma_semaphore, #tpu.memory_space<semaphore_mem>>) src(%dma_wait3A_122 : memref<16384xi32, #tpu.memory_space<hbm>>) dst(%arg7 : memref<16384xi32, #tpu.memory_space<vmem>>)
      tpu.yield
    }) : () -> ()
    %broadcast_in_dim3A = arith.constant 0.000000e+00 : f32
    %broadcast_in_dim3A_7 = vector.broadcast %broadcast_in_dim3A : f32 to vector<16xf32>
    %mul3A_8 = arith.constant 0 : i32
    %mul3A_9 = arith.constant 128 : i32
    %mul3A_10 = arith.muli %mul3A_8, %mul3A_9 : i32
    %dma_start3A = arith.constant 0 : i32
    %dma_start3A_11 = arith.constant 0 : i32
    %dma_start3A_12 = tpu.memref_slice %arg8[%dma_start3A, %dma_start3A_11] : memref<200x64xf32, #tpu.memory_space<vmem>> -> memref<128x64xf32, #tpu.memory_space<vmem>>
    %dma_start3A_13 = tpu.memref_slice %arg6[%mul3A_10] : memref<16384xi32, #tpu.memory_space<vmem>> -> memref<128xi32, #tpu.memory_space<vmem>>
    %dma_start3A_14 = arith.constant 0 : i32
    %dma_start3A_15 = arith.constant 0 : i32
    %dma_start3A_16 = tpu.memref_slice %arg4[%dma_start3A_14, %dma_start3A_15] : memref<100000x64xf32, #tpu.memory_space<hbm>> -> memref<100000x64xf32, #tpu.memory_space<hbm>>
    tpu.enqueue_indirect_dma source(%dma_start3A_16 : memref<100000x64xf32, #tpu.memory_space<hbm>>) target(%dma_start3A_12 : memref<128x64xf32, #tpu.memory_space<vmem>>) offsets(%dma_start3A_13 : memref<128xi32, #tpu.memory_space<vmem>>) semaphore(%arg13 : memref<!tpu.dma_semaphore, #tpu.memory_space<semaphore_mem>>)
    %mul3A_17 = arith.constant 0 : i32
    %mul3A_18 = arith.constant 128 : i32
    %mul3A_19 = arith.muli %mul3A_17, %mul3A_18 : i32
    %dma_start3A_20 = arith.constant 128 : i32
    %dma_start3A_21 = arith.constant 0 : i32
    %dma_start3A_22 = tpu.memref_slice %arg8[%dma_start3A_20, %dma_start3A_21] : memref<200x64xf32, #tpu.memory_space<vmem>> -> memref<72x64xf32, #tpu.memory_space<vmem>>
    %dma_start3A_23 = tpu.memref_slice %arg7[%mul3A_19] : memref<16384xi32, #tpu.memory_space<vmem>> -> memref<72xi32, #tpu.memory_space<vmem>>
    %dma_start3A_24 = arith.constant 0 : i32
    %dma_start3A_25 = arith.constant 0 : i32
    %dma_start3A_26 = tpu.memref_slice %arg4[%dma_start3A_24, %dma_start3A_25] : memref<100000x64xf32, #tpu.memory_space<hbm>> -> memref<100000x64xf32, #tpu.memory_space<hbm>>
    tpu.enqueue_indirect_dma source(%dma_start3A_26 : memref<100000x64xf32, #tpu.memory_space<hbm>>) target(%dma_start3A_22 : memref<72x64xf32, #tpu.memory_space<vmem>>) offsets(%dma_start3A_23 : memref<72xi32, #tpu.memory_space<vmem>>) semaphore(%arg13 : memref<!tpu.dma_semaphore, #tpu.memory_space<semaphore_mem>>)
    %mul3A_27 = arith.constant 1 : i32
    %mul3A_28 = arith.constant 128 : i32
    %mul3A_29 = arith.muli %mul3A_27, %mul3A_28 : i32
    %dma_start3A_30 = arith.constant 0 : i32
    %dma_start3A_31 = arith.constant 0 : i32
    %dma_start3A_32 = tpu.memref_slice %arg9[%dma_start3A_30, %dma_start3A_31] : memref<200x64xf32, #tpu.memory_space<vmem>> -> memref<128x64xf32, #tpu.memory_space<vmem>>
    %dma_start3A_33 = tpu.memref_slice %arg6[%mul3A_29] : memref<16384xi32, #tpu.memory_space<vmem>> -> memref<128xi32, #tpu.memory_space<vmem>>
    %dma_start3A_34 = arith.constant 0 : i32
    %dma_start3A_35 = arith.constant 0 : i32
    %dma_start3A_36 = tpu.memref_slice %arg4[%dma_start3A_34, %dma_start3A_35] : memref<100000x64xf32, #tpu.memory_space<hbm>> -> memref<100000x64xf32, #tpu.memory_space<hbm>>
    tpu.enqueue_indirect_dma source(%dma_start3A_36 : memref<100000x64xf32, #tpu.memory_space<hbm>>) target(%dma_start3A_32 : memref<128x64xf32, #tpu.memory_space<vmem>>) offsets(%dma_start3A_33 : memref<128xi32, #tpu.memory_space<vmem>>) semaphore(%arg14 : memref<!tpu.dma_semaphore, #tpu.memory_space<semaphore_mem>>)
    %mul3A_37 = arith.constant 1 : i32
    %mul3A_38 = arith.constant 128 : i32
    %mul3A_39 = arith.muli %mul3A_37, %mul3A_38 : i32
    %dma_start3A_40 = arith.constant 128 : i32
    %dma_start3A_41 = arith.constant 0 : i32
    %dma_start3A_42 = tpu.memref_slice %arg9[%dma_start3A_40, %dma_start3A_41] : memref<200x64xf32, #tpu.memory_space<vmem>> -> memref<72x64xf32, #tpu.memory_space<vmem>>
    %dma_start3A_43 = tpu.memref_slice %arg7[%mul3A_39] : memref<16384xi32, #tpu.memory_space<vmem>> -> memref<72xi32, #tpu.memory_space<vmem>>
    %dma_start3A_44 = arith.constant 0 : i32
    %dma_start3A_45 = arith.constant 0 : i32
    %dma_start3A_46 = tpu.memref_slice %arg4[%dma_start3A_44, %dma_start3A_45] : memref<100000x64xf32, #tpu.memory_space<hbm>> -> memref<100000x64xf32, #tpu.memory_space<hbm>>
    tpu.enqueue_indirect_dma source(%dma_start3A_46 : memref<100000x64xf32, #tpu.memory_space<hbm>>) target(%dma_start3A_42 : memref<72x64xf32, #tpu.memory_space<vmem>>) offsets(%dma_start3A_43 : memref<72xi32, #tpu.memory_space<vmem>>) semaphore(%arg14 : memref<!tpu.dma_semaphore, #tpu.memory_space<semaphore_mem>>)
    %mul3A_47 = arith.constant 2 : i32
    %mul3A_48 = arith.constant 128 : i32
    %mul3A_49 = arith.muli %mul3A_47, %mul3A_48 : i32
    %dma_start3A_50 = arith.constant 0 : i32
    %dma_start3A_51 = arith.constant 0 : i32
    %dma_start3A_52 = tpu.memref_slice %arg10[%dma_start3A_50, %dma_start3A_51] : memref<200x64xf32, #tpu.memory_space<vmem>> -> memref<128x64xf32, #tpu.memory_space<vmem>>
    %dma_start3A_53 = tpu.memref_slice %arg6[%mul3A_49] : memref<16384xi32, #tpu.memory_space<vmem>> -> memref<128xi32, #tpu.memory_space<vmem>>
    %dma_start3A_54 = arith.constant 0 : i32
    %dma_start3A_55 = arith.constant 0 : i32
    %dma_start3A_56 = tpu.memref_slice %arg4[%dma_start3A_54, %dma_start3A_55] : memref<100000x64xf32, #tpu.memory_space<hbm>> -> memref<100000x64xf32, #tpu.memory_space<hbm>>
    tpu.enqueue_indirect_dma source(%dma_start3A_56 : memref<100000x64xf32, #tpu.memory_space<hbm>>) target(%dma_start3A_52 : memref<128x64xf32, #tpu.memory_space<vmem>>) offsets(%dma_start3A_53 : memref<128xi32, #tpu.memory_space<vmem>>) semaphore(%arg15 : memref<!tpu.dma_semaphore, #tpu.memory_space<semaphore_mem>>)
    %mul3A_57 = arith.constant 2 : i32
    %mul3A_58 = arith.constant 128 : i32
    %mul3A_59 = arith.muli %mul3A_57, %mul3A_58 : i32
    %dma_start3A_60 = arith.constant 128 : i32
    %dma_start3A_61 = arith.constant 0 : i32
    %dma_start3A_62 = tpu.memref_slice %arg10[%dma_start3A_60, %dma_start3A_61] : memref<200x64xf32, #tpu.memory_space<vmem>> -> memref<72x64xf32, #tpu.memory_space<vmem>>
    %dma_start3A_63 = tpu.memref_slice %arg7[%mul3A_59] : memref<16384xi32, #tpu.memory_space<vmem>> -> memref<72xi32, #tpu.memory_space<vmem>>
    %dma_start3A_64 = arith.constant 0 : i32
    %dma_start3A_65 = arith.constant 0 : i32
    %dma_start3A_66 = tpu.memref_slice %arg4[%dma_start3A_64, %dma_start3A_65] : memref<100000x64xf32, #tpu.memory_space<hbm>> -> memref<100000x64xf32, #tpu.memory_space<hbm>>
    tpu.enqueue_indirect_dma source(%dma_start3A_66 : memref<100000x64xf32, #tpu.memory_space<hbm>>) target(%dma_start3A_62 : memref<72x64xf32, #tpu.memory_space<vmem>>) offsets(%dma_start3A_63 : memref<72xi32, #tpu.memory_space<vmem>>) semaphore(%arg15 : memref<!tpu.dma_semaphore, #tpu.memory_space<semaphore_mem>>)
    %scan3A = arith.constant 0 : i32
    %scan3A_67 = arith.constant 0 : i32
    %scan3A_68 = arith.constant 32 : i32
    %scan3A_69 = arith.addi %scan3A_67, %scan3A_68 : i32
    %scan3A_70 = arith.constant 1 : i32
    scf.for %scan3A_119 = %scan3A_67 to %scan3A_69 step %scan3A_70  : i32 {
      %mul3A_120 = arith.constant 4 : i32
      %mul3A_121 = arith.muli %mul3A_120, %scan3A_119 : i32
      %add3A_122 = arith.constant 0 : i32
      %add3A_123 = arith.addi %mul3A_121, %add3A_122 : i32
      %add3A_124 = arith.constant 4 : i32
      %add3A_125 = arith.addi %add3A_123, %add3A_124 : i32
      %sub3A = arith.constant 1 : i32
      %sub3A_126 = arith.subi %add3A_125, %sub3A : i32
      %min3A = arith.constant 127 : i32
      %min3A_127 = arith.minsi %sub3A_126, %min3A : i32
      %mul3A_128 = arith.constant 128 : i32
      %mul3A_129 = arith.muli %min3A_127, %mul3A_128 : i32
      %dma_start3A_130 = arith.constant 0 : i32
      %dma_start3A_131 = arith.constant 0 : i32
      %dma_start3A_132 = tpu.memref_slice %arg11[%dma_start3A_130, %dma_start3A_131] : memref<200x64xf32, #tpu.memory_space<vmem>> -> memref<128x64xf32, #tpu.memory_space<vmem>>
      %dma_start3A_133 = tpu.memref_slice %arg6[%mul3A_129] : memref<16384xi32, #tpu.memory_space<vmem>> -> memref<128xi32, #tpu.memory_space<vmem>>
      %dma_start3A_134 = arith.constant 0 : i32
      %dma_start3A_135 = arith.constant 0 : i32
      %dma_start3A_136 = tpu.memref_slice %arg4[%dma_start3A_134, %dma_start3A_135] : memref<100000x64xf32, #tpu.memory_space<hbm>> -> memref<100000x64xf32, #tpu.memory_space<hbm>>
      tpu.enqueue_indirect_dma source(%dma_start3A_136 : memref<100000x64xf32, #tpu.memory_space<hbm>>) target(%dma_start3A_132 : memref<128x64xf32, #tpu.memory_space<vmem>>) offsets(%dma_start3A_133 : memref<128xi32, #tpu.memory_space<vmem>>) semaphore(%arg16 : memref<!tpu.dma_semaphore, #tpu.memory_space<semaphore_mem>>)
      %mul3A_137 = arith.constant 128 : i32
      %mul3A_138 = arith.muli %min3A_127, %mul3A_137 : i32
      %dma_start3A_139 = arith.constant 128 : i32
      %dma_start3A_140 = arith.constant 0 : i32
      %dma_start3A_141 = tpu.memref_slice %arg11[%dma_start3A_139, %dma_start3A_140] : memref<200x64xf32, #tpu.memory_space<vmem>> -> memref<72x64xf32, #tpu.memory_space<vmem>>
      %dma_start3A_142 = tpu.memref_slice %arg7[%mul3A_138] : memref<16384xi32, #tpu.memory_space<vmem>> -> memref<72xi32, #tpu.memory_space<vmem>>
      %dma_start3A_143 = arith.constant 0 : i32
      %dma_start3A_144 = arith.constant 0 : i32
      %dma_start3A_145 = tpu.memref_slice %arg4[%dma_start3A_143, %dma_start3A_144] : memref<100000x64xf32, #tpu.memory_space<hbm>> -> memref<100000x64xf32, #tpu.memory_space<hbm>>
      tpu.enqueue_indirect_dma source(%dma_start3A_145 : memref<100000x64xf32, #tpu.memory_space<hbm>>) target(%dma_start3A_141 : memref<72x64xf32, #tpu.memory_space<vmem>>) offsets(%dma_start3A_142 : memref<72xi32, #tpu.memory_space<vmem>>) semaphore(%arg16 : memref<!tpu.dma_semaphore, #tpu.memory_space<semaphore_mem>>)
      %dma_wait3A_146 = arith.constant 0 : i32
      %dma_wait3A_147 = arith.constant 0 : i32
      %dma_wait3A_148 = tpu.memref_slice %arg8[%dma_wait3A_146, %dma_wait3A_147] : memref<200x64xf32, #tpu.memory_space<vmem>> -> memref<128x64xf32, #tpu.memory_space<vmem>>
      %dma_wait3A_149 = arith.constant 0 : i32
      %dma_wait3A_150 = tpu.memref_slice %arg6[%dma_wait3A_149] : memref<16384xi32, #tpu.memory_space<vmem>> -> memref<128xi32, #tpu.memory_space<vmem>>
      %dma_wait3A_151 = arith.constant 0 : i32
      %dma_wait3A_152 = arith.constant 0 : i32
      %dma_wait3A_153 = tpu.memref_slice %arg4[%dma_wait3A_151, %dma_wait3A_152] : memref<100000x64xf32, #tpu.memory_space<hbm>> -> memref<100000x64xf32, #tpu.memory_space<hbm>>
      tpu.wait_indirect_dma semaphore(%arg13 : memref<!tpu.dma_semaphore, #tpu.memory_space<semaphore_mem>>) src(%dma_wait3A_153 : memref<100000x64xf32, #tpu.memory_space<hbm>>) dst(%dma_wait3A_148 : memref<128x64xf32, #tpu.memory_space<vmem>>)
      %dma_wait3A_154 = arith.constant 128 : i32
      %dma_wait3A_155 = arith.constant 0 : i32
      %dma_wait3A_156 = tpu.memref_slice %arg8[%dma_wait3A_154, %dma_wait3A_155] : memref<200x64xf32, #tpu.memory_space<vmem>> -> memref<72x64xf32, #tpu.memory_space<vmem>>
      %dma_wait3A_157 = arith.constant 0 : i32
      %dma_wait3A_158 = tpu.memref_slice %arg7[%dma_wait3A_157] : memref<16384xi32, #tpu.memory_space<vmem>> -> memref<72xi32, #tpu.memory_space<vmem>>
      %dma_wait3A_159 = arith.constant 0 : i32
      %dma_wait3A_160 = arith.constant 0 : i32
      %dma_wait3A_161 = tpu.memref_slice %arg4[%dma_wait3A_159, %dma_wait3A_160] : memref<100000x64xf32, #tpu.memory_space<hbm>> -> memref<100000x64xf32, #tpu.memory_space<hbm>>
      tpu.wait_indirect_dma semaphore(%arg13 : memref<!tpu.dma_semaphore, #tpu.memory_space<semaphore_mem>>) src(%dma_wait3A_161 : memref<100000x64xf32, #tpu.memory_space<hbm>>) dst(%dma_wait3A_156 : memref<72x64xf32, #tpu.memory_space<vmem>>)
      %scan3A_162 = arith.constant 0 : i32
      %scan3A_163 = arith.constant 25 : i32
      %scan3A_164 = arith.addi %scan3A_162, %scan3A_163 : i32
      %scan3A_165 = arith.constant 1 : i32
      %scan3A_166:8 = scf.for %scan3A_407 = %scan3A_162 to %scan3A_164 step %scan3A_165 iter_args(%scan3A_408 = %broadcast_in_dim3A_7, %scan3A_409 = %broadcast_in_dim3A_7, %scan3A_410 = %broadcast_in_dim3A_7, %scan3A_411 = %broadcast_in_dim3A_7, %scan3A_412 = %broadcast_in_dim3A_7, %scan3A_413 = %broadcast_in_dim3A_7, %scan3A_414 = %broadcast_in_dim3A_7, %scan3A_415 = %broadcast_in_dim3A_7) -> (vector<16xf32>, vector<16xf32>, vector<16xf32>, vector<16xf32>, vector<16xf32>, vector<16xf32>, vector<16xf32>, vector<16xf32>)  : i32 {
        %mul3A_416 = arith.constant 8 : i32
        %mul3A_417 = arith.muli %scan3A_407, %mul3A_416 : i32
        %add3A_418 = arith.constant 0 : i32
        %add3A_419 = arith.addi %mul3A_417, %add3A_418 : i32
        %get3A = arith.index_cast %add3A_419 : i32 to index
        %get3A_420 = arith.constant 0 : index
        %get3A_421 = tpu.vector_load %arg8[%get3A, %get3A_420] {strides = array<i32>} : memref<200x64xf32, #tpu.memory_space<vmem>>, vector<1x16xf32>,
        %get3A_422 = vector.shape_cast %get3A_421 : vector<1x16xf32> to vector<16xf32>
        %add3A_423 = arith.addf %scan3A_408, %get3A_422 : vector<16xf32>
        %get3A_424 = arith.index_cast %add3A_419 : i32 to index
        %get3A_425 = arith.constant 16 : index
        %get3A_426 = tpu.vector_load %arg8[%get3A_424, %get3A_425] {strides = array<i32>} : memref<200x64xf32, #tpu.memory_space<vmem>>, vector<1x16xf32>,
        %get3A_427 = vector.shape_cast %get3A_426 : vector<1x16xf32> to vector<16xf32>
        %add3A_428 = arith.addf %scan3A_409, %get3A_427 : vector<16xf32>
        %get3A_429 = arith.index_cast %add3A_419 : i32 to index
        %get3A_430 = arith.constant 32 : index
        %get3A_431 = tpu.vector_load %arg8[%get3A_429, %get3A_430] {strides = array<i32>} : memref<200x64xf32, #tpu.memory_space<vmem>>, vector<1x16xf32>,
        %get3A_432 = vector.shape_cast %get3A_431 : vector<1x16xf32> to vector<16xf32>
        %add3A_433 = arith.addf %scan3A_410, %get3A_432 : vector<16xf32>
        %get3A_434 = arith.index_cast %add3A_419 : i32 to index
        %get3A_435 = arith.constant 48 : index
        %get3A_436 = tpu.vector_load %arg8[%get3A_434, %get3A_435] {strides = array<i32>} : memref<200x64xf32, #tpu.memory_space<vmem>>, vector<1x16xf32>,
        %get3A_437 = vector.shape_cast %get3A_436 : vector<1x16xf32> to vector<16xf32>
        %add3A_438 = arith.addf %scan3A_411, %get3A_437 : vector<16xf32>
        %mul3A_439 = arith.constant 8 : i32
        %mul3A_440 = arith.muli %scan3A_407, %mul3A_439 : i32
        %add3A_441 = arith.constant 1 : i32
        %add3A_442 = arith.addi %mul3A_440, %add3A_441 : i32
        %get3A_443 = arith.index_cast %add3A_442 : i32 to index
        %get3A_444 = arith.constant 0 : index
        %get3A_445 = tpu.vector_load %arg8[%get3A_443, %get3A_444] {strides = array<i32>} : memref<200x64xf32, #tpu.memory_space<vmem>>, vector<1x16xf32>,
        %get3A_446 = vector.shape_cast %get3A_445 : vector<1x16xf32> to vector<16xf32>
        %add3A_447 = arith.addf %scan3A_412, %get3A_446 : vector<16xf32>
        %get3A_448 = arith.index_cast %add3A_442 : i32 to index
        %get3A_449 = arith.constant 16 : index
        %get3A_450 = tpu.vector_load %arg8[%get3A_448, %get3A_449] {strides = array<i32>} : memref<200x64xf32, #tpu.memory_space<vmem>>, vector<1x16xf32>,
        %get3A_451 = vector.shape_cast %get3A_450 : vector<1x16xf32> to vector<16xf32>
        %add3A_452 = arith.addf %scan3A_413, %get3A_451 : vector<16xf32>
        %get3A_453 = arith.index_cast %add3A_442 : i32 to index
        %get3A_454 = arith.constant 32 : index
        %get3A_455 = tpu.vector_load %arg8[%get3A_453, %get3A_454] {strides = array<i32>} : memref<200x64xf32, #tpu.memory_space<vmem>>, vector<1x16xf32>,
        %get3A_456 = vector.shape_cast %get3A_455 : vector<1x16xf32> to vector<16xf32>
        %add3A_457 = arith.addf %scan3A_414, %get3A_456 : vector<16xf32>
        %get3A_458 = arith.index_cast %add3A_442 : i32 to index
        %get3A_459 = arith.constant 48 : index
        %get3A_460 = tpu.vector_load %arg8[%get3A_458, %get3A_459] {strides = array<i32>} : memref<200x64xf32, #tpu.memory_space<vmem>>, vector<1x16xf32>,
        %get3A_461 = vector.shape_cast %get3A_460 : vector<1x16xf32> to vector<16xf32>
        %add3A_462 = arith.addf %scan3A_415, %get3A_461 : vector<16xf32>
        %mul3A_463 = arith.constant 8 : i32
        %mul3A_464 = arith.muli %scan3A_407, %mul3A_463 : i32
        %add3A_465 = arith.constant 2 : i32
        %add3A_466 = arith.addi %mul3A_464, %add3A_465 : i32
        %get3A_467 = arith.index_cast %add3A_466 : i32 to index
        %get3A_468 = arith.constant 0 : index
        %get3A_469 = tpu.vector_load %arg8[%get3A_467, %get3A_468] {strides = array<i32>} : memref<200x64xf32, #tpu.memory_space<vmem>>, vector<1x16xf32>,
        %get3A_470 = vector.shape_cast %get3A_469 : vector<1x16xf32> to vector<16xf32>
        %add3A_471 = arith.addf %add3A_423, %get3A_470 : vector<16xf32>
        %get3A_472 = arith.index_cast %add3A_466 : i32 to index
        %get3A_473 = arith.constant 16 : index
        %get3A_474 = tpu.vector_load %arg8[%get3A_472, %get3A_473] {strides = array<i32>} : memref<200x64xf32, #tpu.memory_space<vmem>>, vector<1x16xf32>,
        %get3A_475 = vector.shape_cast %get3A_474 : vector<1x16xf32> to vector<16xf32>
        %add3A_476 = arith.addf %add3A_428, %get3A_475 : vector<16xf32>
        %get3A_477 = arith.index_cast %add3A_466 : i32 to index
        %get3A_478 = arith.constant 32 : index
        %get3A_479 = tpu.vector_load %arg8[%get3A_477, %get3A_478] {strides = array<i32>} : memref<200x64xf32, #tpu.memory_space<vmem>>, vector<1x16xf32>,
        %get3A_480 = vector.shape_cast %get3A_479 : vector<1x16xf32> to vector<16xf32>
        %add3A_481 = arith.addf %add3A_433, %get3A_480 : vector<16xf32>
        %get3A_482 = arith.index_cast %add3A_466 : i32 to index
        %get3A_483 = arith.constant 48 : index
        %get3A_484 = tpu.vector_load %arg8[%get3A_482, %get3A_483] {strides = array<i32>} : memref<200x64xf32, #tpu.memory_space<vmem>>, vector<1x16xf32>,
        %get3A_485 = vector.shape_cast %get3A_484 : vector<1x16xf32> to vector<16xf32>
        %add3A_486 = arith.addf %add3A_438, %get3A_485 : vector<16xf32>
        %mul3A_487 = arith.constant 8 : i32
        %mul3A_488 = arith.muli %scan3A_407, %mul3A_487 : i32
        %add3A_489 = arith.constant 3 : i32
        %add3A_490 = arith.addi %mul3A_488, %add3A_489 : i32
        %get3A_491 = arith.index_cast %add3A_490 : i32 to index
        %get3A_492 = arith.constant 0 : index
        %get3A_493 = tpu.vector_load %arg8[%get3A_491, %get3A_492] {strides = array<i32>} : memref<200x64xf32, #tpu.memory_space<vmem>>, vector<1x16xf32>,
        %get3A_494 = vector.shape_cast %get3A_493 : vector<1x16xf32> to vector<16xf32>
        %add3A_495 = arith.addf %add3A_447, %get3A_494 : vector<16xf32>
        %get3A_496 = arith.index_cast %add3A_490 : i32 to index
        %get3A_497 = arith.constant 16 : index
        %get3A_498 = tpu.vector_load %arg8[%get3A_496, %get3A_497] {strides = array<i32>} : memref<200x64xf32, #tpu.memory_space<vmem>>, vector<1x16xf32>,
        %get3A_499 = vector.shape_cast %get3A_498 : vector<1x16xf32> to vector<16xf32>
        %add3A_500 = arith.addf %add3A_452, %get3A_499 : vector<16xf32>
        %get3A_501 = arith.index_cast %add3A_490 : i32 to index
        %get3A_502 = arith.constant 32 : index
        %get3A_503 = tpu.vector_load %arg8[%get3A_501, %get3A_502] {strides = array<i32>} : memref<200x64xf32, #tpu.memory_space<vmem>>, vector<1x16xf32>,
        %get3A_504 = vector.shape_cast %get3A_503 : vector<1x16xf32> to vector<16xf32>
        %add3A_505 = arith.addf %add3A_457, %get3A_504 : vector<16xf32>
        %get3A_506 = arith.index_cast %add3A_490 : i32 to index
        %get3A_507 = arith.constant 48 : index
        %get3A_508 = tpu.vector_load %arg8[%get3A_506, %get3A_507] {strides = array<i32>} : memref<200x64xf32, #tpu.memory_space<vmem>>, vector<1x16xf32>,
        %get3A_509 = vector.shape_cast %get3A_508 : vector<1x16xf32> to vector<16xf32>
        %add3A_510 = arith.addf %add3A_462, %get3A_509 : vector<16xf32>
        %mul3A_511 = arith.constant 8 : i32
        %mul3A_512 = arith.muli %scan3A_407, %mul3A_511 : i32
        %add3A_513 = arith.constant 4 : i32
        %add3A_514 = arith.addi %mul3A_512, %add3A_513 : i32
        %get3A_515 = arith.index_cast %add3A_514 : i32 to index
        %get3A_516 = arith.constant 0 : index
        %get3A_517 = tpu.vector_load %arg8[%get3A_515, %get3A_516] {strides = array<i32>} : memref<200x64xf32, #tpu.memory_space<vmem>>, vector<1x16xf32>,
        %get3A_518 = vector.shape_cast %get3A_517 : vector<1x16xf32> to vector<16xf32>
        %add3A_519 = arith.addf %add3A_471, %get3A_518 : vector<16xf32>
        %get3A_520 = arith.index_cast %add3A_514 : i32 to index
        %get3A_521 = arith.constant 16 : index
        %get3A_522 = tpu.vector_load %arg8[%get3A_520, %get3A_521] {strides = array<i32>} : memref<200x64xf32, #tpu.memory_space<vmem>>, vector<1x16xf32>,
        %get3A_523 = vector.shape_cast %get3A_522 : vector<1x16xf32> to vector<16xf32>
        %add3A_524 = arith.addf %add3A_476, %get3A_523 : vector<16xf32>
        %get3A_525 = arith.index_cast %add3A_514 : i32 to index
        %get3A_526 = arith.constant 32 : index
        %get3A_527 = tpu.vector_load %arg8[%get3A_525, %get3A_526] {strides = array<i32>} : memref<200x64xf32, #tpu.memory_space<vmem>>, vector<1x16xf32>,
        %get3A_528 = vector.shape_cast %get3A_527 : vector<1x16xf32> to vector<16xf32>
        %add3A_529 = arith.addf %add3A_481, %get3A_528 : vector<16xf32>
        %get3A_530 = arith.index_cast %add3A_514 : i32 to index
        %get3A_531 = arith.constant 48 : index
        %get3A_532 = tpu.vector_load %arg8[%get3A_530, %get3A_531] {strides = array<i32>} : memref<200x64xf32, #tpu.memory_space<vmem>>, vector<1x16xf32>,
        %get3A_533 = vector.shape_cast %get3A_532 : vector<1x16xf32> to vector<16xf32>
        %add3A_534 = arith.addf %add3A_486, %get3A_533 : vector<16xf32>
        %mul3A_535 = arith.constant 8 : i32
        %mul3A_536 = arith.muli %scan3A_407, %mul3A_535 : i32
        %add3A_537 = arith.constant 5 : i32
        %add3A_538 = arith.addi %mul3A_536, %add3A_537 : i32
        %get3A_539 = arith.index_cast %add3A_538 : i32 to index
        %get3A_540 = arith.constant 0 : index
        %get3A_541 = tpu.vector_load %arg8[%get3A_539, %get3A_540] {strides = array<i32>} : memref<200x64xf32, #tpu.memory_space<vmem>>, vector<1x16xf32>,
        %get3A_542 = vector.shape_cast %get3A_541 : vector<1x16xf32> to vector<16xf32>
        %add3A_543 = arith.addf %add3A_495, %get3A_542 : vector<16xf32>
        %get3A_544 = arith.index_cast %add3A_538 : i32 to index
        %get3A_545 = arith.constant 16 : index
        %get3A_546 = tpu.vector_load %arg8[%get3A_544, %get3A_545] {strides = array<i32>} : memref<200x64xf32, #tpu.memory_space<vmem>>, vector<1x16xf32>,
        %get3A_547 = vector.shape_cast %get3A_546 : vector<1x16xf32> to vector<16xf32>
        %add3A_548 = arith.addf %add3A_500, %get3A_547 : vector<16xf32>
        %get3A_549 = arith.index_cast %add3A_538 : i32 to index
        %get3A_550 = arith.constant 32 : index
        %get3A_551 = tpu.vector_load %arg8[%get3A_549, %get3A_550] {strides = array<i32>} : memref<200x64xf32, #tpu.memory_space<vmem>>, vector<1x16xf32>,
        %get3A_552 = vector.shape_cast %get3A_551 : vector<1x16xf32> to vector<16xf32>
        %add3A_553 = arith.addf %add3A_505, %get3A_552 : vector<16xf32>
        %get3A_554 = arith.index_cast %add3A_538 : i32 to index
        %get3A_555 = arith.constant 48 : index
        %get3A_556 = tpu.vector_load %arg8[%get3A_554, %get3A_555] {strides = array<i32>} : memref<200x64xf32, #tpu.memory_space<vmem>>, vector<1x16xf32>,
        %get3A_557 = vector.shape_cast %get3A_556 : vector<1x16xf32> to vector<16xf32>
        %add3A_558 = arith.addf %add3A_510, %get3A_557 : vector<16xf32>
        %mul3A_559 = arith.constant 8 : i32
        %mul3A_560 = arith.muli %scan3A_407, %mul3A_559 : i32
        %add3A_561 = arith.constant 6 : i32
        %add3A_562 = arith.addi %mul3A_560, %add3A_561 : i32
        %get3A_563 = arith.index_cast %add3A_562 : i32 to index
        %get3A_564 = arith.constant 0 : index
        %get3A_565 = tpu.vector_load %arg8[%get3A_563, %get3A_564] {strides = array<i32>} : memref<200x64xf32, #tpu.memory_space<vmem>>, vector<1x16xf32>,
        %get3A_566 = vector.shape_cast %get3A_565 : vector<1x16xf32> to vector<16xf32>
        %add3A_567 = arith.addf %add3A_519, %get3A_566 : vector<16xf32>
        %get3A_568 = arith.index_cast %add3A_562 : i32 to index
        %get3A_569 = arith.constant 16 : index
        %get3A_570 = tpu.vector_load %arg8[%get3A_568, %get3A_569] {strides = array<i32>} : memref<200x64xf32, #tpu.memory_space<vmem>>, vector<1x16xf32>,
        %get3A_571 = vector.shape_cast %get3A_570 : vector<1x16xf32> to vector<16xf32>
        %add3A_572 = arith.addf %add3A_524, %get3A_571 : vector<16xf32>
        %get3A_573 = arith.index_cast %add3A_562 : i32 to index
        %get3A_574 = arith.constant 32 : index
        %get3A_575 = tpu.vector_load %arg8[%get3A_573, %get3A_574] {strides = array<i32>} : memref<200x64xf32, #tpu.memory_space<vmem>>, vector<1x16xf32>,
        %get3A_576 = vector.shape_cast %get3A_575 : vector<1x16xf32> to vector<16xf32>
        %add3A_577 = arith.addf %add3A_529, %get3A_576 : vector<16xf32>
        %get3A_578 = arith.index_cast %add3A_562 : i32 to index
        %get3A_579 = arith.constant 48 : index
        %get3A_580 = tpu.vector_load %arg8[%get3A_578, %get3A_579] {strides = array<i32>} : memref<200x64xf32, #tpu.memory_space<vmem>>, vector<1x16xf32>,
        %get3A_581 = vector.shape_cast %get3A_580 : vector<1x16xf32> to vector<16xf32>
        %add3A_582 = arith.addf %add3A_534, %get3A_581 : vector<16xf32>
        %mul3A_583 = arith.constant 8 : i32
        %mul3A_584 = arith.muli %scan3A_407, %mul3A_583 : i32
        %add3A_585 = arith.constant 7 : i32
        %add3A_586 = arith.addi %mul3A_584, %add3A_585 : i32
        %get3A_587 = arith.index_cast %add3A_586 : i32 to index
        %get3A_588 = arith.constant 0 : index
        %get3A_589 = tpu.vector_load %arg8[%get3A_587, %get3A_588] {strides = array<i32>} : memref<200x64xf32, #tpu.memory_space<vmem>>, vector<1x16xf32>,
        %get3A_590 = vector.shape_cast %get3A_589 : vector<1x16xf32> to vector<16xf32>
        %add3A_591 = arith.addf %add3A_543, %get3A_590 : vector<16xf32>
        %get3A_592 = arith.index_cast %add3A_586 : i32 to index
        %get3A_593 = arith.constant 16 : index
        %get3A_594 = tpu.vector_load %arg8[%get3A_592, %get3A_593] {strides = array<i32>} : memref<200x64xf32, #tpu.memory_space<vmem>>, vector<1x16xf32>,
        %get3A_595 = vector.shape_cast %get3A_594 : vector<1x16xf32> to vector<16xf32>
        %add3A_596 = arith.addf %add3A_548, %get3A_595 : vector<16xf32>
        %get3A_597 = arith.index_cast %add3A_586 : i32 to index
        %get3A_598 = arith.constant 32 : index
        %get3A_599 = tpu.vector_load %arg8[%get3A_597, %get3A_598] {strides = array<i32>} : memref<200x64xf32, #tpu.memory_space<vmem>>, vector<1x16xf32>,
        %get3A_600 = vector.shape_cast %get3A_599 : vector<1x16xf32> to vector<16xf32>
        %add3A_601 = arith.addf %add3A_553, %get3A_600 : vector<16xf32>
        %get3A_602 = arith.index_cast %add3A_586 : i32 to index
        %get3A_603 = arith.constant 48 : index
        %get3A_604 = tpu.vector_load %arg8[%get3A_602, %get3A_603] {strides = array<i32>} : memref<200x64xf32, #tpu.memory_space<vmem>>, vector<1x16xf32>,
        %get3A_605 = vector.shape_cast %get3A_604 : vector<1x16xf32> to vector<16xf32>
        %add3A_606 = arith.addf %add3A_558, %get3A_605 : vector<16xf32>
        scf.yield %add3A_567, %add3A_572, %add3A_577, %add3A_582, %add3A_591, %add3A_596, %add3A_601, %add3A_606 : vector<16xf32>, vector<16xf32>, vector<16xf32>, vector<16xf32>, vector<16xf32>, vector<16xf32>, vector<16xf32>, vector<16xf32>
      }
      %scan3A_167 = arith.constant 25 : i32
      %add3A_168 = arith.addf %scan3A_166#0, %scan3A_166#4 : vector<16xf32>
      %swap3A = arith.index_cast %add3A_123 : i32 to index
      %swap3A_169 = arith.constant 0 : index
      %swap3A_170 = tpu.vector_load %arg12[%swap3A, %swap3A_169] {strides = array<i32>} : memref<128x64xf32, #tpu.memory_space<vmem>>, vector<1x16xf32>,
      %swap3A_171 = vector.shape_cast %swap3A_170 : vector<1x16xf32> to vector<16xf32>
      %swap3A_172 = vector.shape_cast %add3A_168 : vector<16xf32> to vector<1x16xf32>
      tpu.vector_store %arg12[%swap3A, %swap3A_169], %swap3A_172 {strides = array<i32>} : memref<128x64xf32, #tpu.memory_space<vmem>>, vector<1x16xf32>,
      %add3A_173 = arith.addf %scan3A_166#1, %scan3A_166#5 : vector<16xf32>
      %swap3A_174 = arith.index_cast %add3A_123 : i32 to index
      %swap3A_175 = arith.constant 16 : index
      %swap3A_176 = tpu.vector_load %arg12[%swap3A_174, %swap3A_175] {strides = array<i32>} : memref<128x64xf32, #tpu.memory_space<vmem>>, vector<1x16xf32>,
      %swap3A_177 = vector.shape_cast %swap3A_176 : vector<1x16xf32> to vector<16xf32>
      %swap3A_178 = vector.shape_cast %add3A_173 : vector<16xf32> to vector<1x16xf32>
      tpu.vector_store %arg12[%swap3A_174, %swap3A_175], %swap3A_178 {strides = array<i32>} : memref<128x64xf32, #tpu.memory_space<vmem>>, vector<1x16xf32>,
      %add3A_179 = arith.addf %scan3A_166#2, %scan3A_166#6 : vector<16xf32>
      %swap3A_180 = arith.index_cast %add3A_123 : i32 to index
      %swap3A_181 = arith.constant 32 : index
      %swap3A_182 = tpu.vector_load %arg12[%swap3A_180, %swap3A_181] {strides = array<i32>} : memref<128x64xf32, #tpu.memory_space<vmem>>, vector<1x16xf32>,
      %swap3A_183 = vector.shape_cast %swap3A_182 : vector<1x16xf32> to vector<16xf32>
      %swap3A_184 = vector.shape_cast %add3A_179 : vector<16xf32> to vector<1x16xf32>
      tpu.vector_store %arg12[%swap3A_180, %swap3A_181], %swap3A_184 {strides = array<i32>} : memref<128x64xf32, #tpu.memory_space<vmem>>, vector<1x16xf32>,
      %add3A_185 = arith.addf %scan3A_166#3, %scan3A_166#7 : vector<16xf32>
      %swap3A_186 = arith.index_cast %add3A_123 : i32 to index
      %swap3A_187 = arith.constant 48 : index
      %swap3A_188 = tpu.vector_load %arg12[%swap3A_186, %swap3A_187] {strides = array<i32>} : memref<128x64xf32, #tpu.memory_space<vmem>>, vector<1x16xf32>,
      %swap3A_189 = vector.shape_cast %swap3A_188 : vector<1x16xf32> to vector<16xf32>
      %swap3A_190 = vector.shape_cast %add3A_185 : vector<16xf32> to vector<1x16xf32>
      tpu.vector_store %arg12[%swap3A_186, %swap3A_187], %swap3A_190 {strides = array<i32>} : memref<128x64xf32, #tpu.memory_space<vmem>>, vector<1x16xf32>,
      %add3A_191 = arith.constant 1 : i32
      %add3A_192 = arith.addi %mul3A_121, %add3A_191 : i32
      %add3A_193 = arith.constant 4 : i32
      %add3A_194 = arith.addi %add3A_192, %add3A_193 : i32
      %sub3A_195 = arith.constant 1 : i32
      %sub3A_196 = arith.subi %add3A_194, %sub3A_195 : i32
      %min3A_197 = arith.constant 127 : i32
      %min3A_198 = arith.minsi %sub3A_196, %min3A_197 : i32
      %mul3A_199 = arith.constant 128 : i32
      %mul3A_200 = arith.muli %min3A_198, %mul3A_199 : i32
      %dma_start3A_201 = arith.constant 0 : i32
      %dma_start3A_202 = arith.constant 0 : i32
      %dma_start3A_203 = tpu.memref_slice %arg8[%dma_start3A_201, %dma_start3A_202] : memref<200x64xf32, #tpu.memory_space<vmem>> -> memref<128x64xf32, #tpu.memory_space<vmem>>
      %dma_start3A_204 = tpu.memref_slice %arg6[%mul3A_200] : memref<16384xi32, #tpu.memory_space<vmem>> -> memref<128xi32, #tpu.memory_space<vmem>>
      %dma_start3A_205 = arith.constant 0 : i32
      %dma_start3A_206 = arith.constant 0 : i32
      %dma_start3A_207 = tpu.memref_slice %arg4[%dma_start3A_205, %dma_start3A_206] : memref<100000x64xf32, #tpu.memory_space<hbm>> -> memref<100000x64xf32, #tpu.memory_space<hbm>>
      tpu.enqueue_indirect_dma source(%dma_start3A_207 : memref<100000x64xf32, #tpu.memory_space<hbm>>) target(%dma_start3A_203 : memref<128x64xf32, #tpu.memory_space<vmem>>) offsets(%dma_start3A_204 : memref<128xi32, #tpu.memory_space<vmem>>) semaphore(%arg13 : memref<!tpu.dma_semaphore, #tpu.memory_space<semaphore_mem>>)
      %mul3A_208 = arith.constant 128 : i32
      %mul3A_209 = arith.muli %min3A_198, %mul3A_208 : i32
      %dma_start3A_210 = arith.constant 128 : i32
      %dma_start3A_211 = arith.constant 0 : i32
      %dma_start3A_212 = tpu.memref_slice %arg8[%dma_start3A_210, %dma_start3A_211] : memref<200x64xf32, #tpu.memory_space<vmem>> -> memref<72x64xf32, #tpu.memory_space<vmem>>
      %dma_start3A_213 = tpu.memref_slice %arg7[%mul3A_209] : memref<16384xi32, #tpu.memory_space<vmem>> -> memref<72xi32, #tpu.memory_space<vmem>>
      %dma_start3A_214 = arith.constant 0 : i32
      %dma_start3A_215 = arith.constant 0 : i32
      %dma_start3A_216 = tpu.memref_slice %arg4[%dma_start3A_214, %dma_start3A_215] : memref<100000x64xf32, #tpu.memory_space<hbm>> -> memref<100000x64xf32, #tpu.memory_space<hbm>>
      tpu.enqueue_indirect_dma source(%dma_start3A_216 : memref<100000x64xf32, #tpu.memory_space<hbm>>) target(%dma_start3A_212 : memref<72x64xf32, #tpu.memory_space<vmem>>) offsets(%dma_start3A_213 : memref<72xi32, #tpu.memory_space<vmem>>) semaphore(%arg13 : memref<!tpu.dma_semaphore, #tpu.memory_space<semaphore_mem>>)
      %dma_wait3A_217 = arith.constant 0 : i32
      %dma_wait3A_218 = arith.constant 0 : i32
      %dma_wait3A_219 = tpu.memref_slice %arg9[%dma_wait3A_217, %dma_wait3A_218] : memref<200x64xf32, #tpu.memory_space<vmem>> -> memref<128x64xf32, #tpu.memory_space<vmem>>
      %dma_wait3A_220 = arith.constant 0 : i32
      %dma_wait3A_221 = tpu.memref_slice %arg6[%dma_wait3A_220] : memref<16384xi32, #tpu.memory_space<vmem>> -> memref<128xi32, #tpu.memory_space<vmem>>
      %dma_wait3A_222 = arith.constant 0 : i32
      %dma_wait3A_223 = arith.constant 0 : i32
      %dma_wait3A_224 = tpu.memref_slice %arg4[%dma_wait3A_222, %dma_wait3A_223] : memref<100000x64xf32, #tpu.memory_space<hbm>> -> memref<100000x64xf32, #tpu.memory_space<hbm>>
      tpu.wait_indirect_dma semaphore(%arg14 : memref<!tpu.dma_semaphore, #tpu.memory_space<semaphore_mem>>) src(%dma_wait3A_224 : memref<100000x64xf32, #tpu.memory_space<hbm>>) dst(%dma_wait3A_219 : memref<128x64xf32, #tpu.memory_space<vmem>>)
      %dma_wait3A_225 = arith.constant 128 : i32
      %dma_wait3A_226 = arith.constant 0 : i32
      %dma_wait3A_227 = tpu.memref_slice %arg9[%dma_wait3A_225, %dma_wait3A_226] : memref<200x64xf32, #tpu.memory_space<vmem>> -> memref<72x64xf32, #tpu.memory_space<vmem>>
      %dma_wait3A_228 = arith.constant 0 : i32
      %dma_wait3A_229 = tpu.memref_slice %arg7[%dma_wait3A_228] : memref<16384xi32, #tpu.memory_space<vmem>> -> memref<72xi32, #tpu.memory_space<vmem>>
      %dma_wait3A_230 = arith.constant 0 : i32
      %dma_wait3A_231 = arith.constant 0 : i32
      %dma_wait3A_232 = tpu.memref_slice %arg4[%dma_wait3A_230, %dma_wait3A_231] : memref<100000x64xf32, #tpu.memory_space<hbm>> -> memref<100000x64xf32, #tpu.memory_space<hbm>>
      tpu.wait_indirect_dma semaphore(%arg14 : memref<!tpu.dma_semaphore, #tpu.memory_space<semaphore_mem>>) src(%dma_wait3A_232 : memref<100000x64xf32, #tpu.memory_space<hbm>>) dst(%dma_wait3A_227 : memref<72x64xf32, #tpu.memory_space<vmem>>)
      %scan3A_233 = arith.constant 0 : i32
      %scan3A_234 = arith.constant 25 : i32
      %scan3A_235 = arith.addi %scan3A_233, %scan3A_234 : i32
      %scan3A_236 = arith.constant 1 : i32
      %scan3A_237:8 = scf.for %scan3A_407 = %scan3A_233 to %scan3A_235 step %scan3A_236 iter_args(%scan3A_408 = %broadcast_in_dim3A_7, %scan3A_409 = %broadcast_in_dim3A_7, %scan3A_410 = %broadcast_in_dim3A_7, %scan3A_411 = %broadcast_in_dim3A_7, %scan3A_412 = %broadcast_in_dim3A_7, %scan3A_413 = %broadcast_in_dim3A_7, %scan3A_414 = %broadcast_in_dim3A_7, %scan3A_415 = %broadcast_in_dim3A_7) -> (vector<16xf32>, vector<16xf32>, vector<16xf32>, vector<16xf32>, vector<16xf32>, vector<16xf32>, vector<16xf32>, vector<16xf32>)  : i32 {
        %mul3A_416 = arith.constant 8 : i32
        %mul3A_417 = arith.muli %scan3A_407, %mul3A_416 : i32
        %add3A_418 = arith.constant 0 : i32
        %add3A_419 = arith.addi %mul3A_417, %add3A_418 : i32
        %get3A = arith.index_cast %add3A_419 : i32 to index
        %get3A_420 = arith.constant 0 : index
        %get3A_421 = tpu.vector_load %arg9[%get3A, %get3A_420] {strides = array<i32>} : memref<200x64xf32, #tpu.memory_space<vmem>>, vector<1x16xf32>,
        %get3A_422 = vector.shape_cast %get3A_421 : vector<1x16xf32> to vector<16xf32>
        %add3A_423 = arith.addf %scan3A_408, %get3A_422 : vector<16xf32>
        %get3A_424 = arith.index_cast %add3A_419 : i32 to index
        %get3A_425 = arith.constant 16 : index
        %get3A_426 = tpu.vector_load %arg9[%get3A_424, %get3A_425] {strides = array<i32>} : memref<200x64xf32, #tpu.memory_space<vmem>>, vector<1x16xf32>,
        %get3A_427 = vector.shape_cast %get3A_426 : vector<1x16xf32> to vector<16xf32>
        %add3A_428 = arith.addf %scan3A_409, %get3A_427 : vector<16xf32>
        %get3A_429 = arith.index_cast %add3A_419 : i32 to index
        %get3A_430 = arith.constant 32 : index
        %get3A_431 = tpu.vector_load %arg9[%get3A_429, %get3A_430] {strides = array<i32>} : memref<200x64xf32, #tpu.memory_space<vmem>>, vector<1x16xf32>,
        %get3A_432 = vector.shape_cast %get3A_431 : vector<1x16xf32> to vector<16xf32>
        %add3A_433 = arith.addf %scan3A_410, %get3A_432 : vector<16xf32>
        %get3A_434 = arith.index_cast %add3A_419 : i32 to index
        %get3A_435 = arith.constant 48 : index
        %get3A_436 = tpu.vector_load %arg9[%get3A_434, %get3A_435] {strides = array<i32>} : memref<200x64xf32, #tpu.memory_space<vmem>>, vector<1x16xf32>,
        %get3A_437 = vector.shape_cast %get3A_436 : vector<1x16xf32> to vector<16xf32>
        %add3A_438 = arith.addf %scan3A_411, %get3A_437 : vector<16xf32>
        %mul3A_439 = arith.constant 8 : i32
        %mul3A_440 = arith.muli %scan3A_407, %mul3A_439 : i32
        %add3A_441 = arith.constant 1 : i32
        %add3A_442 = arith.addi %mul3A_440, %add3A_441 : i32
        %get3A_443 = arith.index_cast %add3A_442 : i32 to index
        %get3A_444 = arith.constant 0 : index
        %get3A_445 = tpu.vector_load %arg9[%get3A_443, %get3A_444] {strides = array<i32>} : memref<200x64xf32, #tpu.memory_space<vmem>>, vector<1x16xf32>,
        %get3A_446 = vector.shape_cast %get3A_445 : vector<1x16xf32> to vector<16xf32>
        %add3A_447 = arith.addf %scan3A_412, %get3A_446 : vector<16xf32>
        %get3A_448 = arith.index_cast %add3A_442 : i32 to index
        %get3A_449 = arith.constant 16 : index
        %get3A_450 = tpu.vector_load %arg9[%get3A_448, %get3A_449] {strides = array<i32>} : memref<200x64xf32, #tpu.memory_space<vmem>>, vector<1x16xf32>,
        %get3A_451 = vector.shape_cast %get3A_450 : vector<1x16xf32> to vector<16xf32>
        %add3A_452 = arith.addf %scan3A_413, %get3A_451 : vector<16xf32>
        %get3A_453 = arith.index_cast %add3A_442 : i32 to index
        %get3A_454 = arith.constant 32 : index
        %get3A_455 = tpu.vector_load %arg9[%get3A_453, %get3A_454] {strides = array<i32>} : memref<200x64xf32, #tpu.memory_space<vmem>>, vector<1x16xf32>,
        %get3A_456 = vector.shape_cast %get3A_455 : vector<1x16xf32> to vector<16xf32>
        %add3A_457 = arith.addf %scan3A_414, %get3A_456 : vector<16xf32>
        %get3A_458 = arith.index_cast %add3A_442 : i32 to index
        %get3A_459 = arith.constant 48 : index
        %get3A_460 = tpu.vector_load %arg9[%get3A_458, %get3A_459] {strides = array<i32>} : memref<200x64xf32, #tpu.memory_space<vmem>>, vector<1x16xf32>,
        %get3A_461 = vector.shape_cast %get3A_460 : vector<1x16xf32> to vector<16xf32>
        %add3A_462 = arith.addf %scan3A_415, %get3A_461 : vector<16xf32>
        %mul3A_463 = arith.constant 8 : i32
        %mul3A_464 = arith.muli %scan3A_407, %mul3A_463 : i32
        %add3A_465 = arith.constant 2 : i32
        %add3A_466 = arith.addi %mul3A_464, %add3A_465 : i32
        %get3A_467 = arith.index_cast %add3A_466 : i32 to index
        %get3A_468 = arith.constant 0 : index
        %get3A_469 = tpu.vector_load %arg9[%get3A_467, %get3A_468] {strides = array<i32>} : memref<200x64xf32, #tpu.memory_space<vmem>>, vector<1x16xf32>,
        %get3A_470 = vector.shape_cast %get3A_469 : vector<1x16xf32> to vector<16xf32>
        %add3A_471 = arith.addf %add3A_423, %get3A_470 : vector<16xf32>
        %get3A_472 = arith.index_cast %add3A_466 : i32 to index
        %get3A_473 = arith.constant 16 : index
        %get3A_474 = tpu.vector_load %arg9[%get3A_472, %get3A_473] {strides = array<i32>} : memref<200x64xf32, #tpu.memory_space<vmem>>, vector<1x16xf32>,
        %get3A_475 = vector.shape_cast %get3A_474 : vector<1x16xf32> to vector<16xf32>
        %add3A_476 = arith.addf %add3A_428, %get3A_475 : vector<16xf32>
        %get3A_477 = arith.index_cast %add3A_466 : i32 to index
        %get3A_478 = arith.constant 32 : index
        %get3A_479 = tpu.vector_load %arg9[%get3A_477, %get3A_478] {strides = array<i32>} : memref<200x64xf32, #tpu.memory_space<vmem>>, vector<1x16xf32>,
        %get3A_480 = vector.shape_cast %get3A_479 : vector<1x16xf32> to vector<16xf32>
        %add3A_481 = arith.addf %add3A_433, %get3A_480 : vector<16xf32>
        %get3A_482 = arith.index_cast %add3A_466 : i32 to index
        %get3A_483 = arith.constant 48 : index
        %get3A_484 = tpu.vector_load %arg9[%get3A_482, %get3A_483] {strides = array<i32>} : memref<200x64xf32, #tpu.memory_space<vmem>>, vector<1x16xf32>,
        %get3A_485 = vector.shape_cast %get3A_484 : vector<1x16xf32> to vector<16xf32>
        %add3A_486 = arith.addf %add3A_438, %get3A_485 : vector<16xf32>
        %mul3A_487 = arith.constant 8 : i32
        %mul3A_488 = arith.muli %scan3A_407, %mul3A_487 : i32
        %add3A_489 = arith.constant 3 : i32
        %add3A_490 = arith.addi %mul3A_488, %add3A_489 : i32
        %get3A_491 = arith.index_cast %add3A_490 : i32 to index
        %get3A_492 = arith.constant 0 : index
        %get3A_493 = tpu.vector_load %arg9[%get3A_491, %get3A_492] {strides = array<i32>} : memref<200x64xf32, #tpu.memory_space<vmem>>, vector<1x16xf32>,
        %get3A_494 = vector.shape_cast %get3A_493 : vector<1x16xf32> to vector<16xf32>
        %add3A_495 = arith.addf %add3A_447, %get3A_494 : vector<16xf32>
        %get3A_496 = arith.index_cast %add3A_490 : i32 to index
        %get3A_497 = arith.constant 16 : index
        %get3A_498 = tpu.vector_load %arg9[%get3A_496, %get3A_497] {strides = array<i32>} : memref<200x64xf32, #tpu.memory_space<vmem>>, vector<1x16xf32>,
        %get3A_499 = vector.shape_cast %get3A_498 : vector<1x16xf32> to vector<16xf32>
        %add3A_500 = arith.addf %add3A_452, %get3A_499 : vector<16xf32>
        %get3A_501 = arith.index_cast %add3A_490 : i32 to index
        %get3A_502 = arith.constant 32 : index
        %get3A_503 = tpu.vector_load %arg9[%get3A_501, %get3A_502] {strides = array<i32>} : memref<200x64xf32, #tpu.memory_space<vmem>>, vector<1x16xf32>,
        %get3A_504 = vector.shape_cast %get3A_503 : vector<1x16xf32> to vector<16xf32>
        %add3A_505 = arith.addf %add3A_457, %get3A_504 : vector<16xf32>
        %get3A_506 = arith.index_cast %add3A_490 : i32 to index
        %get3A_507 = arith.constant 48 : index
        %get3A_508 = tpu.vector_load %arg9[%get3A_506, %get3A_507] {strides = array<i32>} : memref<200x64xf32, #tpu.memory_space<vmem>>, vector<1x16xf32>,
        %get3A_509 = vector.shape_cast %get3A_508 : vector<1x16xf32> to vector<16xf32>
        %add3A_510 = arith.addf %add3A_462, %get3A_509 : vector<16xf32>
        %mul3A_511 = arith.constant 8 : i32
        %mul3A_512 = arith.muli %scan3A_407, %mul3A_511 : i32
        %add3A_513 = arith.constant 4 : i32
        %add3A_514 = arith.addi %mul3A_512, %add3A_513 : i32
        %get3A_515 = arith.index_cast %add3A_514 : i32 to index
        %get3A_516 = arith.constant 0 : index
        %get3A_517 = tpu.vector_load %arg9[%get3A_515, %get3A_516] {strides = array<i32>} : memref<200x64xf32, #tpu.memory_space<vmem>>, vector<1x16xf32>,
        %get3A_518 = vector.shape_cast %get3A_517 : vector<1x16xf32> to vector<16xf32>
        %add3A_519 = arith.addf %add3A_471, %get3A_518 : vector<16xf32>
        %get3A_520 = arith.index_cast %add3A_514 : i32 to index
        %get3A_521 = arith.constant 16 : index
        %get3A_522 = tpu.vector_load %arg9[%get3A_520, %get3A_521] {strides = array<i32>} : memref<200x64xf32, #tpu.memory_space<vmem>>, vector<1x16xf32>,
        %get3A_523 = vector.shape_cast %get3A_522 : vector<1x16xf32> to vector<16xf32>
        %add3A_524 = arith.addf %add3A_476, %get3A_523 : vector<16xf32>
        %get3A_525 = arith.index_cast %add3A_514 : i32 to index
        %get3A_526 = arith.constant 32 : index
        %get3A_527 = tpu.vector_load %arg9[%get3A_525, %get3A_526] {strides = array<i32>} : memref<200x64xf32, #tpu.memory_space<vmem>>, vector<1x16xf32>,
        %get3A_528 = vector.shape_cast %get3A_527 : vector<1x16xf32> to vector<16xf32>
        %add3A_529 = arith.addf %add3A_481, %get3A_528 : vector<16xf32>
        %get3A_530 = arith.index_cast %add3A_514 : i32 to index
        %get3A_531 = arith.constant 48 : index
        %get3A_532 = tpu.vector_load %arg9[%get3A_530, %get3A_531] {strides = array<i32>} : memref<200x64xf32, #tpu.memory_space<vmem>>, vector<1x16xf32>,
        %get3A_533 = vector.shape_cast %get3A_532 : vector<1x16xf32> to vector<16xf32>
        %add3A_534 = arith.addf %add3A_486, %get3A_533 : vector<16xf32>
        %mul3A_535 = arith.constant 8 : i32
        %mul3A_536 = arith.muli %scan3A_407, %mul3A_535 : i32
        %add3A_537 = arith.constant 5 : i32
        %add3A_538 = arith.addi %mul3A_536, %add3A_537 : i32
        %get3A_539 = arith.index_cast %add3A_538 : i32 to index
        %get3A_540 = arith.constant 0 : index
        %get3A_541 = tpu.vector_load %arg9[%get3A_539, %get3A_540] {strides = array<i32>} : memref<200x64xf32, #tpu.memory_space<vmem>>, vector<1x16xf32>,
        %get3A_542 = vector.shape_cast %get3A_541 : vector<1x16xf32> to vector<16xf32>
        %add3A_543 = arith.addf %add3A_495, %get3A_542 : vector<16xf32>
        %get3A_544 = arith.index_cast %add3A_538 : i32 to index
        %get3A_545 = arith.constant 16 : index
        %get3A_546 = tpu.vector_load %arg9[%get3A_544, %get3A_545] {strides = array<i32>} : memref<200x64xf32, #tpu.memory_space<vmem>>, vector<1x16xf32>,
        %get3A_547 = vector.shape_cast %get3A_546 : vector<1x16xf32> to vector<16xf32>
        %add3A_548 = arith.addf %add3A_500, %get3A_547 : vector<16xf32>
        %get3A_549 = arith.index_cast %add3A_538 : i32 to index
        %get3A_550 = arith.constant 32 : index
        %get3A_551 = tpu.vector_load %arg9[%get3A_549, %get3A_550] {strides = array<i32>} : memref<200x64xf32, #tpu.memory_space<vmem>>, vector<1x16xf32>,
        %get3A_552 = vector.shape_cast %get3A_551 : vector<1x16xf32> to vector<16xf32>
        %add3A_553 = arith.addf %add3A_505, %get3A_552 : vector<16xf32>
        %get3A_554 = arith.index_cast %add3A_538 : i32 to index
        %get3A_555 = arith.constant 48 : index
        %get3A_556 = tpu.vector_load %arg9[%get3A_554, %get3A_555] {strides = array<i32>} : memref<200x64xf32, #tpu.memory_space<vmem>>, vector<1x16xf32>,
        %get3A_557 = vector.shape_cast %get3A_556 : vector<1x16xf32> to vector<16xf32>
        %add3A_558 = arith.addf %add3A_510, %get3A_557 : vector<16xf32>
        %mul3A_559 = arith.constant 8 : i32
        %mul3A_560 = arith.muli %scan3A_407, %mul3A_559 : i32
        %add3A_561 = arith.constant 6 : i32
        %add3A_562 = arith.addi %mul3A_560, %add3A_561 : i32
        %get3A_563 = arith.index_cast %add3A_562 : i32 to index
        %get3A_564 = arith.constant 0 : index
        %get3A_565 = tpu.vector_load %arg9[%get3A_563, %get3A_564] {strides = array<i32>} : memref<200x64xf32, #tpu.memory_space<vmem>>, vector<1x16xf32>,
        %get3A_566 = vector.shape_cast %get3A_565 : vector<1x16xf32> to vector<16xf32>
        %add3A_567 = arith.addf %add3A_519, %get3A_566 : vector<16xf32>
        %get3A_568 = arith.index_cast %add3A_562 : i32 to index
        %get3A_569 = arith.constant 16 : index
        %get3A_570 = tpu.vector_load %arg9[%get3A_568, %get3A_569] {strides = array<i32>} : memref<200x64xf32, #tpu.memory_space<vmem>>, vector<1x16xf32>,
        %get3A_571 = vector.shape_cast %get3A_570 : vector<1x16xf32> to vector<16xf32>
        %add3A_572 = arith.addf %add3A_524, %get3A_571 : vector<16xf32>
        %get3A_573 = arith.index_cast %add3A_562 : i32 to index
        %get3A_574 = arith.constant 32 : index
        %get3A_575 = tpu.vector_load %arg9[%get3A_573, %get3A_574] {strides = array<i32>} : memref<200x64xf32, #tpu.memory_space<vmem>>, vector<1x16xf32>,
        %get3A_576 = vector.shape_cast %get3A_575 : vector<1x16xf32> to vector<16xf32>
        %add3A_577 = arith.addf %add3A_529, %get3A_576 : vector<16xf32>
        %get3A_578 = arith.index_cast %add3A_562 : i32 to index
        %get3A_579 = arith.constant 48 : index
        %get3A_580 = tpu.vector_load %arg9[%get3A_578, %get3A_579] {strides = array<i32>} : memref<200x64xf32, #tpu.memory_space<vmem>>, vector<1x16xf32>,
        %get3A_581 = vector.shape_cast %get3A_580 : vector<1x16xf32> to vector<16xf32>
        %add3A_582 = arith.addf %add3A_534, %get3A_581 : vector<16xf32>
        %mul3A_583 = arith.constant 8 : i32
        %mul3A_584 = arith.muli %scan3A_407, %mul3A_583 : i32
        %add3A_585 = arith.constant 7 : i32
        %add3A_586 = arith.addi %mul3A_584, %add3A_585 : i32
        %get3A_587 = arith.index_cast %add3A_586 : i32 to index
        %get3A_588 = arith.constant 0 : index
        %get3A_589 = tpu.vector_load %arg9[%get3A_587, %get3A_588] {strides = array<i32>} : memref<200x64xf32, #tpu.memory_space<vmem>>, vector<1x16xf32>,
        %get3A_590 = vector.shape_cast %get3A_589 : vector<1x16xf32> to vector<16xf32>
        %add3A_591 = arith.addf %add3A_543, %get3A_590 : vector<16xf32>
        %get3A_592 = arith.index_cast %add3A_586 : i32 to index
        %get3A_593 = arith.constant 16 : index
        %get3A_594 = tpu.vector_load %arg9[%get3A_592, %get3A_593] {strides = array<i32>} : memref<200x64xf32, #tpu.memory_space<vmem>>, vector<1x16xf32>,
        %get3A_595 = vector.shape_cast %get3A_594 : vector<1x16xf32> to vector<16xf32>
        %add3A_596 = arith.addf %add3A_548, %get3A_595 : vector<16xf32>
        %get3A_597 = arith.index_cast %add3A_586 : i32 to index
        %get3A_598 = arith.constant 32 : index
        %get3A_599 = tpu.vector_load %arg9[%get3A_597, %get3A_598] {strides = array<i32>} : memref<200x64xf32, #tpu.memory_space<vmem>>, vector<1x16xf32>,
        %get3A_600 = vector.shape_cast %get3A_599 : vector<1x16xf32> to vector<16xf32>
        %add3A_601 = arith.addf %add3A_553, %get3A_600 : vector<16xf32>
        %get3A_602 = arith.index_cast %add3A_586 : i32 to index
        %get3A_603 = arith.constant 48 : index
        %get3A_604 = tpu.vector_load %arg9[%get3A_602, %get3A_603] {strides = array<i32>} : memref<200x64xf32, #tpu.memory_space<vmem>>, vector<1x16xf32>,
        %get3A_605 = vector.shape_cast %get3A_604 : vector<1x16xf32> to vector<16xf32>
        %add3A_606 = arith.addf %add3A_558, %get3A_605 : vector<16xf32>
        scf.yield %add3A_567, %add3A_572, %add3A_577, %add3A_582, %add3A_591, %add3A_596, %add3A_601, %add3A_606 : vector<16xf32>, vector<16xf32>, vector<16xf32>, vector<16xf32>, vector<16xf32>, vector<16xf32>, vector<16xf32>, vector<16xf32>
      }
      %scan3A_238 = arith.constant 25 : i32
      %add3A_239 = arith.addf %scan3A_237#0, %scan3A_237#4 : vector<16xf32>
      %swap3A_240 = arith.index_cast %add3A_192 : i32 to index
      %swap3A_241 = arith.constant 0 : index
      %swap3A_242 = tpu.vector_load %arg12[%swap3A_240, %swap3A_241] {strides = array<i32>} : memref<128x64xf32, #tpu.memory_space<vmem>>, vector<1x16xf32>,
      %swap3A_243 = vector.shape_cast %swap3A_242 : vector<1x16xf32> to vector<16xf32>
      %swap3A_244 = vector.shape_cast %add3A_239 : vector<16xf32> to vector<1x16xf32>
      tpu.vector_store %arg12[%swap3A_240, %swap3A_241], %swap3A_244 {strides = array<i32>} : memref<128x64xf32, #tpu.memory_space<vmem>>, vector<1x16xf32>,
      %add3A_245 = arith.addf %scan3A_237#1, %scan3A_237#5 : vector<16xf32>
      %swap3A_246 = arith.index_cast %add3A_192 : i32 to index
      %swap3A_247 = arith.constant 16 : index
      %swap3A_248 = tpu.vector_load %arg12[%swap3A_246, %swap3A_247] {strides = array<i32>} : memref<128x64xf32, #tpu.memory_space<vmem>>, vector<1x16xf32>,
      %swap3A_249 = vector.shape_cast %swap3A_248 : vector<1x16xf32> to vector<16xf32>
      %swap3A_250 = vector.shape_cast %add3A_245 : vector<16xf32> to vector<1x16xf32>
      tpu.vector_store %arg12[%swap3A_246, %swap3A_247], %swap3A_250 {strides = array<i32>} : memref<128x64xf32, #tpu.memory_space<vmem>>, vector<1x16xf32>,
      %add3A_251 = arith.addf %scan3A_237#2, %scan3A_237#6 : vector<16xf32>
      %swap3A_252 = arith.index_cast %add3A_192 : i32 to index
      %swap3A_253 = arith.constant 32 : index
      %swap3A_254 = tpu.vector_load %arg12[%swap3A_252, %swap3A_253] {strides = array<i32>} : memref<128x64xf32, #tpu.memory_space<vmem>>, vector<1x16xf32>,
      %swap3A_255 = vector.shape_cast %swap3A_254 : vector<1x16xf32> to vector<16xf32>
      %swap3A_256 = vector.shape_cast %add3A_251 : vector<16xf32> to vector<1x16xf32>
      tpu.vector_store %arg12[%swap3A_252, %swap3A_253], %swap3A_256 {strides = array<i32>} : memref<128x64xf32, #tpu.memory_space<vmem>>, vector<1x16xf32>,
      %add3A_257 = arith.addf %scan3A_237#3, %scan3A_237#7 : vector<16xf32>
      %swap3A_258 = arith.index_cast %add3A_192 : i32 to index
      %swap3A_259 = arith.constant 48 : index
      %swap3A_260 = tpu.vector_load %arg12[%swap3A_258, %swap3A_259] {strides = array<i32>} : memref<128x64xf32, #tpu.memory_space<vmem>>, vector<1x16xf32>,
      %swap3A_261 = vector.shape_cast %swap3A_260 : vector<1x16xf32> to vector<16xf32>
      %swap3A_262 = vector.shape_cast %add3A_257 : vector<16xf32> to vector<1x16xf32>
      tpu.vector_store %arg12[%swap3A_258, %swap3A_259], %swap3A_262 {strides = array<i32>} : memref<128x64xf32, #tpu.memory_space<vmem>>, vector<1x16xf32>,
      %add3A_263 = arith.constant 2 : i32
      %add3A_264 = arith.addi %mul3A_121, %add3A_263 : i32
      %add3A_265 = arith.constant 4 : i32
      %add3A_266 = arith.addi %add3A_264, %add3A_265 : i32
      %sub3A_267 = arith.constant 1 : i32
      %sub3A_268 = arith.subi %add3A_266, %sub3A_267 : i32
      %min3A_269 = arith.constant 127 : i32
      %min3A_270 = arith.minsi %sub3A_268, %min3A_269 : i32
      %mul3A_271 = arith.constant 128 : i32
      %mul3A_272 = arith.muli %min3A_270, %mul3A_271 : i32
      %dma_start3A_273 = arith.constant 0 : i32
      %dma_start3A_274 = arith.constant 0 : i32
      %dma_start3A_275 = tpu.memref_slice %arg9[%dma_start3A_273, %dma_start3A_274] : memref<200x64xf32, #tpu.memory_space<vmem>> -> memref<128x64xf32, #tpu.memory_space<vmem>>
      %dma_start3A_276 = tpu.memref_slice %arg6[%mul3A_272] : memref<16384xi32, #tpu.memory_space<vmem>> -> memref<128xi32, #tpu.memory_space<vmem>>
      %dma_start3A_277 = arith.constant 0 : i32
      %dma_start3A_278 = arith.constant 0 : i32
      %dma_start3A_279 = tpu.memref_slice %arg4[%dma_start3A_277, %dma_start3A_278] : memref<100000x64xf32, #tpu.memory_space<hbm>> -> memref<100000x64xf32, #tpu.memory_space<hbm>>
      tpu.enqueue_indirect_dma source(%dma_start3A_279 : memref<100000x64xf32, #tpu.memory_space<hbm>>) target(%dma_start3A_275 : memref<128x64xf32, #tpu.memory_space<vmem>>) offsets(%dma_start3A_276 : memref<128xi32, #tpu.memory_space<vmem>>) semaphore(%arg14 : memref<!tpu.dma_semaphore, #tpu.memory_space<semaphore_mem>>)
      %mul3A_280 = arith.constant 128 : i32
      %mul3A_281 = arith.muli %min3A_270, %mul3A_280 : i32
      %dma_start3A_282 = arith.constant 128 : i32
      %dma_start3A_283 = arith.constant 0 : i32
      %dma_start3A_284 = tpu.memref_slice %arg9[%dma_start3A_282, %dma_start3A_283] : memref<200x64xf32, #tpu.memory_space<vmem>> -> memref<72x64xf32, #tpu.memory_space<vmem>>
      %dma_start3A_285 = tpu.memref_slice %arg7[%mul3A_281] : memref<16384xi32, #tpu.memory_space<vmem>> -> memref<72xi32, #tpu.memory_space<vmem>>
      %dma_start3A_286 = arith.constant 0 : i32
      %dma_start3A_287 = arith.constant 0 : i32
      %dma_start3A_288 = tpu.memref_slice %arg4[%dma_start3A_286, %dma_start3A_287] : memref<100000x64xf32, #tpu.memory_space<hbm>> -> memref<100000x64xf32, #tpu.memory_space<hbm>>
      tpu.enqueue_indirect_dma source(%dma_start3A_288 : memref<100000x64xf32, #tpu.memory_space<hbm>>) target(%dma_start3A_284 : memref<72x64xf32, #tpu.memory_space<vmem>>) offsets(%dma_start3A_285 : memref<72xi32, #tpu.memory_space<vmem>>) semaphore(%arg14 : memref<!tpu.dma_semaphore, #tpu.memory_space<semaphore_mem>>)
      %dma_wait3A_289 = arith.constant 0 : i32
      %dma_wait3A_290 = arith.constant 0 : i32
      %dma_wait3A_291 = tpu.memref_slice %arg10[%dma_wait3A_289, %dma_wait3A_290] : memref<200x64xf32, #tpu.memory_space<vmem>> -> memref<128x64xf32, #tpu.memory_space<vmem>>
      %dma_wait3A_292 = arith.constant 0 : i32
      %dma_wait3A_293 = tpu.memref_slice %arg6[%dma_wait3A_292] : memref<16384xi32, #tpu.memory_space<vmem>> -> memref<128xi32, #tpu.memory_space<vmem>>
      %dma_wait3A_294 = arith.constant 0 : i32
      %dma_wait3A_295 = arith.constant 0 : i32
      %dma_wait3A_296 = tpu.memref_slice %arg4[%dma_wait3A_294, %dma_wait3A_295] : memref<100000x64xf32, #tpu.memory_space<hbm>> -> memref<100000x64xf32, #tpu.memory_space<hbm>>
      tpu.wait_indirect_dma semaphore(%arg15 : memref<!tpu.dma_semaphore, #tpu.memory_space<semaphore_mem>>) src(%dma_wait3A_296 : memref<100000x64xf32, #tpu.memory_space<hbm>>) dst(%dma_wait3A_291 : memref<128x64xf32, #tpu.memory_space<vmem>>)
      %dma_wait3A_297 = arith.constant 128 : i32
      %dma_wait3A_298 = arith.constant 0 : i32
      %dma_wait3A_299 = tpu.memref_slice %arg10[%dma_wait3A_297, %dma_wait3A_298] : memref<200x64xf32, #tpu.memory_space<vmem>> -> memref<72x64xf32, #tpu.memory_space<vmem>>
      %dma_wait3A_300 = arith.constant 0 : i32
      %dma_wait3A_301 = tpu.memref_slice %arg7[%dma_wait3A_300] : memref<16384xi32, #tpu.memory_space<vmem>> -> memref<72xi32, #tpu.memory_space<vmem>>
      %dma_wait3A_302 = arith.constant 0 : i32
      %dma_wait3A_303 = arith.constant 0 : i32
      %dma_wait3A_304 = tpu.memref_slice %arg4[%dma_wait3A_302, %dma_wait3A_303] : memref<100000x64xf32, #tpu.memory_space<hbm>> -> memref<100000x64xf32, #tpu.memory_space<hbm>>
      tpu.wait_indirect_dma semaphore(%arg15 : memref<!tpu.dma_semaphore, #tpu.memory_space<semaphore_mem>>) src(%dma_wait3A_304 : memref<100000x64xf32, #tpu.memory_space<hbm>>) dst(%dma_wait3A_299 : memref<72x64xf32, #tpu.memory_space<vmem>>)
      %scan3A_305 = arith.constant 0 : i32
      %scan3A_306 = arith.constant 25 : i32
      %scan3A_307 = arith.addi %scan3A_305, %scan3A_306 : i32
      %scan3A_308 = arith.constant 1 : i32
      %scan3A_309:8 = scf.for %scan3A_407 = %scan3A_305 to %scan3A_307 step %scan3A_308 iter_args(%scan3A_408 = %broadcast_in_dim3A_7, %scan3A_409 = %broadcast_in_dim3A_7, %scan3A_410 = %broadcast_in_dim3A_7, %scan3A_411 = %broadcast_in_dim3A_7, %scan3A_412 = %broadcast_in_dim3A_7, %scan3A_413 = %broadcast_in_dim3A_7, %scan3A_414 = %broadcast_in_dim3A_7, %scan3A_415 = %broadcast_in_dim3A_7) -> (vector<16xf32>, vector<16xf32>, vector<16xf32>, vector<16xf32>, vector<16xf32>, vector<16xf32>, vector<16xf32>, vector<16xf32>)  : i32 {
        %mul3A_416 = arith.constant 8 : i32
        %mul3A_417 = arith.muli %scan3A_407, %mul3A_416 : i32
        %add3A_418 = arith.constant 0 : i32
        %add3A_419 = arith.addi %mul3A_417, %add3A_418 : i32
        %get3A = arith.index_cast %add3A_419 : i32 to index
        %get3A_420 = arith.constant 0 : index
        %get3A_421 = tpu.vector_load %arg10[%get3A, %get3A_420] {strides = array<i32>} : memref<200x64xf32, #tpu.memory_space<vmem>>, vector<1x16xf32>,
        %get3A_422 = vector.shape_cast %get3A_421 : vector<1x16xf32> to vector<16xf32>
        %add3A_423 = arith.addf %scan3A_408, %get3A_422 : vector<16xf32>
        %get3A_424 = arith.index_cast %add3A_419 : i32 to index
        %get3A_425 = arith.constant 16 : index
        %get3A_426 = tpu.vector_load %arg10[%get3A_424, %get3A_425] {strides = array<i32>} : memref<200x64xf32, #tpu.memory_space<vmem>>, vector<1x16xf32>,
        %get3A_427 = vector.shape_cast %get3A_426 : vector<1x16xf32> to vector<16xf32>
        %add3A_428 = arith.addf %scan3A_409, %get3A_427 : vector<16xf32>
        %get3A_429 = arith.index_cast %add3A_419 : i32 to index
        %get3A_430 = arith.constant 32 : index
        %get3A_431 = tpu.vector_load %arg10[%get3A_429, %get3A_430] {strides = array<i32>} : memref<200x64xf32, #tpu.memory_space<vmem>>, vector<1x16xf32>,
        %get3A_432 = vector.shape_cast %get3A_431 : vector<1x16xf32> to vector<16xf32>
        %add3A_433 = arith.addf %scan3A_410, %get3A_432 : vector<16xf32>
        %get3A_434 = arith.index_cast %add3A_419 : i32 to index
        %get3A_435 = arith.constant 48 : index
        %get3A_436 = tpu.vector_load %arg10[%get3A_434, %get3A_435] {strides = array<i32>} : memref<200x64xf32, #tpu.memory_space<vmem>>, vector<1x16xf32>,
        %get3A_437 = vector.shape_cast %get3A_436 : vector<1x16xf32> to vector<16xf32>
        %add3A_438 = arith.addf %scan3A_411, %get3A_437 : vector<16xf32>
        %mul3A_439 = arith.constant 8 : i32
        %mul3A_440 = arith.muli %scan3A_407, %mul3A_439 : i32
        %add3A_441 = arith.constant 1 : i32
        %add3A_442 = arith.addi %mul3A_440, %add3A_441 : i32
        %get3A_443 = arith.index_cast %add3A_442 : i32 to index
        %get3A_444 = arith.constant 0 : index
        %get3A_445 = tpu.vector_load %arg10[%get3A_443, %get3A_444] {strides = array<i32>} : memref<200x64xf32, #tpu.memory_space<vmem>>, vector<1x16xf32>,
        %get3A_446 = vector.shape_cast %get3A_445 : vector<1x16xf32> to vector<16xf32>
        %add3A_447 = arith.addf %scan3A_412, %get3A_446 : vector<16xf32>
        %get3A_448 = arith.index_cast %add3A_442 : i32 to index
        %get3A_449 = arith.constant 16 : index
        %get3A_450 = tpu.vector_load %arg10[%get3A_448, %get3A_449] {strides = array<i32>} : memref<200x64xf32, #tpu.memory_space<vmem>>, vector<1x16xf32>,
        %get3A_451 = vector.shape_cast %get3A_450 : vector<1x16xf32> to vector<16xf32>
        %add3A_452 = arith.addf %scan3A_413, %get3A_451 : vector<16xf32>
        %get3A_453 = arith.index_cast %add3A_442 : i32 to index
        %get3A_454 = arith.constant 32 : index
        %get3A_455 = tpu.vector_load %arg10[%get3A_453, %get3A_454] {strides = array<i32>} : memref<200x64xf32, #tpu.memory_space<vmem>>, vector<1x16xf32>,
        %get3A_456 = vector.shape_cast %get3A_455 : vector<1x16xf32> to vector<16xf32>
        %add3A_457 = arith.addf %scan3A_414, %get3A_456 : vector<16xf32>
        %get3A_458 = arith.index_cast %add3A_442 : i32 to index
        %get3A_459 = arith.constant 48 : index
        %get3A_460 = tpu.vector_load %arg10[%get3A_458, %get3A_459] {strides = array<i32>} : memref<200x64xf32, #tpu.memory_space<vmem>>, vector<1x16xf32>,
        %get3A_461 = vector.shape_cast %get3A_460 : vector<1x16xf32> to vector<16xf32>
        %add3A_462 = arith.addf %scan3A_415, %get3A_461 : vector<16xf32>
        %mul3A_463 = arith.constant 8 : i32
        %mul3A_464 = arith.muli %scan3A_407, %mul3A_463 : i32
        %add3A_465 = arith.constant 2 : i32
        %add3A_466 = arith.addi %mul3A_464, %add3A_465 : i32
        %get3A_467 = arith.index_cast %add3A_466 : i32 to index
        %get3A_468 = arith.constant 0 : index
        %get3A_469 = tpu.vector_load %arg10[%get3A_467, %get3A_468] {strides = array<i32>} : memref<200x64xf32, #tpu.memory_space<vmem>>, vector<1x16xf32>,
        %get3A_470 = vector.shape_cast %get3A_469 : vector<1x16xf32> to vector<16xf32>
        %add3A_471 = arith.addf %add3A_423, %get3A_470 : vector<16xf32>
        %get3A_472 = arith.index_cast %add3A_466 : i32 to index
        %get3A_473 = arith.constant 16 : index
        %get3A_474 = tpu.vector_load %arg10[%get3A_472, %get3A_473] {strides = array<i32>} : memref<200x64xf32, #tpu.memory_space<vmem>>, vector<1x16xf32>,
        %get3A_475 = vector.shape_cast %get3A_474 : vector<1x16xf32> to vector<16xf32>
        %add3A_476 = arith.addf %add3A_428, %get3A_475 : vector<16xf32>
        %get3A_477 = arith.index_cast %add3A_466 : i32 to index
        %get3A_478 = arith.constant 32 : index
        %get3A_479 = tpu.vector_load %arg10[%get3A_477, %get3A_478] {strides = array<i32>} : memref<200x64xf32, #tpu.memory_space<vmem>>, vector<1x16xf32>,
        %get3A_480 = vector.shape_cast %get3A_479 : vector<1x16xf32> to vector<16xf32>
        %add3A_481 = arith.addf %add3A_433, %get3A_480 : vector<16xf32>
        %get3A_482 = arith.index_cast %add3A_466 : i32 to index
        %get3A_483 = arith.constant 48 : index
        %get3A_484 = tpu.vector_load %arg10[%get3A_482, %get3A_483] {strides = array<i32>} : memref<200x64xf32, #tpu.memory_space<vmem>>, vector<1x16xf32>,
        %get3A_485 = vector.shape_cast %get3A_484 : vector<1x16xf32> to vector<16xf32>
        %add3A_486 = arith.addf %add3A_438, %get3A_485 : vector<16xf32>
        %mul3A_487 = arith.constant 8 : i32
        %mul3A_488 = arith.muli %scan3A_407, %mul3A_487 : i32
        %add3A_489 = arith.constant 3 : i32
        %add3A_490 = arith.addi %mul3A_488, %add3A_489 : i32
        %get3A_491 = arith.index_cast %add3A_490 : i32 to index
        %get3A_492 = arith.constant 0 : index
        %get3A_493 = tpu.vector_load %arg10[%get3A_491, %get3A_492] {strides = array<i32>} : memref<200x64xf32, #tpu.memory_space<vmem>>, vector<1x16xf32>,
        %get3A_494 = vector.shape_cast %get3A_493 : vector<1x16xf32> to vector<16xf32>
        %add3A_495 = arith.addf %add3A_447, %get3A_494 : vector<16xf32>
        %get3A_496 = arith.index_cast %add3A_490 : i32 to index
        %get3A_497 = arith.constant 16 : index
        %get3A_498 = tpu.vector_load %arg10[%get3A_496, %get3A_497] {strides = array<i32>} : memref<200x64xf32, #tpu.memory_space<vmem>>, vector<1x16xf32>,
        %get3A_499 = vector.shape_cast %get3A_498 : vector<1x16xf32> to vector<16xf32>
        %add3A_500 = arith.addf %add3A_452, %get3A_499 : vector<16xf32>
        %get3A_501 = arith.index_cast %add3A_490 : i32 to index
        %get3A_502 = arith.constant 32 : index
        %get3A_503 = tpu.vector_load %arg10[%get3A_501, %get3A_502] {strides = array<i32>} : memref<200x64xf32, #tpu.memory_space<vmem>>, vector<1x16xf32>,
        %get3A_504 = vector.shape_cast %get3A_503 : vector<1x16xf32> to vector<16xf32>
        %add3A_505 = arith.addf %add3A_457, %get3A_504 : vector<16xf32>
        %get3A_506 = arith.index_cast %add3A_490 : i32 to index
        %get3A_507 = arith.constant 48 : index
        %get3A_508 = tpu.vector_load %arg10[%get3A_506, %get3A_507] {strides = array<i32>} : memref<200x64xf32, #tpu.memory_space<vmem>>, vector<1x16xf32>,
        %get3A_509 = vector.shape_cast %get3A_508 : vector<1x16xf32> to vector<16xf32>
        %add3A_510 = arith.addf %add3A_462, %get3A_509 : vector<16xf32>
        %mul3A_511 = arith.constant 8 : i32
        %mul3A_512 = arith.muli %scan3A_407, %mul3A_511 : i32
        %add3A_513 = arith.constant 4 : i32
        %add3A_514 = arith.addi %mul3A_512, %add3A_513 : i32
        %get3A_515 = arith.index_cast %add3A_514 : i32 to index
        %get3A_516 = arith.constant 0 : index
        %get3A_517 = tpu.vector_load %arg10[%get3A_515, %get3A_516] {strides = array<i32>} : memref<200x64xf32, #tpu.memory_space<vmem>>, vector<1x16xf32>,
        %get3A_518 = vector.shape_cast %get3A_517 : vector<1x16xf32> to vector<16xf32>
        %add3A_519 = arith.addf %add3A_471, %get3A_518 : vector<16xf32>
        %get3A_520 = arith.index_cast %add3A_514 : i32 to index
        %get3A_521 = arith.constant 16 : index
        %get3A_522 = tpu.vector_load %arg10[%get3A_520, %get3A_521] {strides = array<i32>} : memref<200x64xf32, #tpu.memory_space<vmem>>, vector<1x16xf32>,
        %get3A_523 = vector.shape_cast %get3A_522 : vector<1x16xf32> to vector<16xf32>
        %add3A_524 = arith.addf %add3A_476, %get3A_523 : vector<16xf32>
        %get3A_525 = arith.index_cast %add3A_514 : i32 to index
        %get3A_526 = arith.constant 32 : index
        %get3A_527 = tpu.vector_load %arg10[%get3A_525, %get3A_526] {strides = array<i32>} : memref<200x64xf32, #tpu.memory_space<vmem>>, vector<1x16xf32>,
        %get3A_528 = vector.shape_cast %get3A_527 : vector<1x16xf32> to vector<16xf32>
        %add3A_529 = arith.addf %add3A_481, %get3A_528 : vector<16xf32>
        %get3A_530 = arith.index_cast %add3A_514 : i32 to index
        %get3A_531 = arith.constant 48 : index
        %get3A_532 = tpu.vector_load %arg10[%get3A_530, %get3A_531] {strides = array<i32>} : memref<200x64xf32, #tpu.memory_space<vmem>>, vector<1x16xf32>,
        %get3A_533 = vector.shape_cast %get3A_532 : vector<1x16xf32> to vector<16xf32>
        %add3A_534 = arith.addf %add3A_486, %get3A_533 : vector<16xf32>
        %mul3A_535 = arith.constant 8 : i32
        %mul3A_536 = arith.muli %scan3A_407, %mul3A_535 : i32
        %add3A_537 = arith.constant 5 : i32
        %add3A_538 = arith.addi %mul3A_536, %add3A_537 : i32
        %get3A_539 = arith.index_cast %add3A_538 : i32 to index
        %get3A_540 = arith.constant 0 : index
        %get3A_541 = tpu.vector_load %arg10[%get3A_539, %get3A_540] {strides = array<i32>} : memref<200x64xf32, #tpu.memory_space<vmem>>, vector<1x16xf32>,
        %get3A_542 = vector.shape_cast %get3A_541 : vector<1x16xf32> to vector<16xf32>
        %add3A_543 = arith.addf %add3A_495, %get3A_542 : vector<16xf32>
        %get3A_544 = arith.index_cast %add3A_538 : i32 to index
        %get3A_545 = arith.constant 16 : index
        %get3A_546 = tpu.vector_load %arg10[%get3A_544, %get3A_545] {strides = array<i32>} : memref<200x64xf32, #tpu.memory_space<vmem>>, vector<1x16xf32>,
        %get3A_547 = vector.shape_cast %get3A_546 : vector<1x16xf32> to vector<16xf32>
        %add3A_548 = arith.addf %add3A_500, %get3A_547 : vector<16xf32>
        %get3A_549 = arith.index_cast %add3A_538 : i32 to index
        %get3A_550 = arith.constant 32 : index
        %get3A_551 = tpu.vector_load %arg10[%get3A_549, %get3A_550] {strides = array<i32>} : memref<200x64xf32, #tpu.memory_space<vmem>>, vector<1x16xf32>,
        %get3A_552 = vector.shape_cast %get3A_551 : vector<1x16xf32> to vector<16xf32>
        %add3A_553 = arith.addf %add3A_505, %get3A_552 : vector<16xf32>
        %get3A_554 = arith.index_cast %add3A_538 : i32 to index
        %get3A_555 = arith.constant 48 : index
        %get3A_556 = tpu.vector_load %arg10[%get3A_554, %get3A_555] {strides = array<i32>} : memref<200x64xf32, #tpu.memory_space<vmem>>, vector<1x16xf32>,
        %get3A_557 = vector.shape_cast %get3A_556 : vector<1x16xf32> to vector<16xf32>
        %add3A_558 = arith.addf %add3A_510, %get3A_557 : vector<16xf32>
        %mul3A_559 = arith.constant 8 : i32
        %mul3A_560 = arith.muli %scan3A_407, %mul3A_559 : i32
        %add3A_561 = arith.constant 6 : i32
        %add3A_562 = arith.addi %mul3A_560, %add3A_561 : i32
        %get3A_563 = arith.index_cast %add3A_562 : i32 to index
        %get3A_564 = arith.constant 0 : index
        %get3A_565 = tpu.vector_load %arg10[%get3A_563, %get3A_564] {strides = array<i32>} : memref<200x64xf32, #tpu.memory_space<vmem>>, vector<1x16xf32>,
        %get3A_566 = vector.shape_cast %get3A_565 : vector<1x16xf32> to vector<16xf32>
        %add3A_567 = arith.addf %add3A_519, %get3A_566 : vector<16xf32>
        %get3A_568 = arith.index_cast %add3A_562 : i32 to index
        %get3A_569 = arith.constant 16 : index
        %get3A_570 = tpu.vector_load %arg10[%get3A_568, %get3A_569] {strides = array<i32>} : memref<200x64xf32, #tpu.memory_space<vmem>>, vector<1x16xf32>,
        %get3A_571 = vector.shape_cast %get3A_570 : vector<1x16xf32> to vector<16xf32>
        %add3A_572 = arith.addf %add3A_524, %get3A_571 : vector<16xf32>
        %get3A_573 = arith.index_cast %add3A_562 : i32 to index
        %get3A_574 = arith.constant 32 : index
        %get3A_575 = tpu.vector_load %arg10[%get3A_573, %get3A_574] {strides = array<i32>} : memref<200x64xf32, #tpu.memory_space<vmem>>, vector<1x16xf32>,
        %get3A_576 = vector.shape_cast %get3A_575 : vector<1x16xf32> to vector<16xf32>
        %add3A_577 = arith.addf %add3A_529, %get3A_576 : vector<16xf32>
        %get3A_578 = arith.index_cast %add3A_562 : i32 to index
        %get3A_579 = arith.constant 48 : index
        %get3A_580 = tpu.vector_load %arg10[%get3A_578, %get3A_579] {strides = array<i32>} : memref<200x64xf32, #tpu.memory_space<vmem>>, vector<1x16xf32>,
        %get3A_581 = vector.shape_cast %get3A_580 : vector<1x16xf32> to vector<16xf32>
        %add3A_582 = arith.addf %add3A_534, %get3A_581 : vector<16xf32>
        %mul3A_583 = arith.constant 8 : i32
        %mul3A_584 = arith.muli %scan3A_407, %mul3A_583 : i32
        %add3A_585 = arith.constant 7 : i32
        %add3A_586 = arith.addi %mul3A_584, %add3A_585 : i32
        %get3A_587 = arith.index_cast %add3A_586 : i32 to index
        %get3A_588 = arith.constant 0 : index
        %get3A_589 = tpu.vector_load %arg10[%get3A_587, %get3A_588] {strides = array<i32>} : memref<200x64xf32, #tpu.memory_space<vmem>>, vector<1x16xf32>,
        %get3A_590 = vector.shape_cast %get3A_589 : vector<1x16xf32> to vector<16xf32>
        %add3A_591 = arith.addf %add3A_543, %get3A_590 : vector<16xf32>
        %get3A_592 = arith.index_cast %add3A_586 : i32 to index
        %get3A_593 = arith.constant 16 : index
        %get3A_594 = tpu.vector_load %arg10[%get3A_592, %get3A_593] {strides = array<i32>} : memref<200x64xf32, #tpu.memory_space<vmem>>, vector<1x16xf32>,
        %get3A_595 = vector.shape_cast %get3A_594 : vector<1x16xf32> to vector<16xf32>
        %add3A_596 = arith.addf %add3A_548, %get3A_595 : vector<16xf32>
        %get3A_597 = arith.index_cast %add3A_586 : i32 to index
        %get3A_598 = arith.constant 32 : index
        %get3A_599 = tpu.vector_load %arg10[%get3A_597, %get3A_598] {strides = array<i32>} : memref<200x64xf32, #tpu.memory_space<vmem>>, vector<1x16xf32>,
        %get3A_600 = vector.shape_cast %get3A_599 : vector<1x16xf32> to vector<16xf32>
        %add3A_601 = arith.addf %add3A_553, %get3A_600 : vector<16xf32>
        %get3A_602 = arith.index_cast %add3A_586 : i32 to index
        %get3A_603 = arith.constant 48 : index
        %get3A_604 = tpu.vector_load %arg10[%get3A_602, %get3A_603] {strides = array<i32>} : memref<200x64xf32, #tpu.memory_space<vmem>>, vector<1x16xf32>,
        %get3A_605 = vector.shape_cast %get3A_604 : vector<1x16xf32> to vector<16xf32>
        %add3A_606 = arith.addf %add3A_558, %get3A_605 : vector<16xf32>
        scf.yield %add3A_567, %add3A_572, %add3A_577, %add3A_582, %add3A_591, %add3A_596, %add3A_601, %add3A_606 : vector<16xf32>, vector<16xf32>, vector<16xf32>, vector<16xf32>, vector<16xf32>, vector<16xf32>, vector<16xf32>, vector<16xf32>
      }
      %scan3A_310 = arith.constant 25 : i32
      %add3A_311 = arith.addf %scan3A_309#0, %scan3A_309#4 : vector<16xf32>
      %swap3A_312 = arith.index_cast %add3A_264 : i32 to index
      %swap3A_313 = arith.constant 0 : index
      %swap3A_314 = tpu.vector_load %arg12[%swap3A_312, %swap3A_313] {strides = array<i32>} : memref<128x64xf32, #tpu.memory_space<vmem>>, vector<1x16xf32>,
      %swap3A_315 = vector.shape_cast %swap3A_314 : vector<1x16xf32> to vector<16xf32>
      %swap3A_316 = vector.shape_cast %add3A_311 : vector<16xf32> to vector<1x16xf32>
      tpu.vector_store %arg12[%swap3A_312, %swap3A_313], %swap3A_316 {strides = array<i32>} : memref<128x64xf32, #tpu.memory_space<vmem>>, vector<1x16xf32>,
      %add3A_317 = arith.addf %scan3A_309#1, %scan3A_309#5 : vector<16xf32>
      %swap3A_318 = arith.index_cast %add3A_264 : i32 to index
      %swap3A_319 = arith.constant 16 : index
      %swap3A_320 = tpu.vector_load %arg12[%swap3A_318, %swap3A_319] {strides = array<i32>} : memref<128x64xf32, #tpu.memory_space<vmem>>, vector<1x16xf32>,
      %swap3A_321 = vector.shape_cast %swap3A_320 : vector<1x16xf32> to vector<16xf32>
      %swap3A_322 = vector.shape_cast %add3A_317 : vector<16xf32> to vector<1x16xf32>
      tpu.vector_store %arg12[%swap3A_318, %swap3A_319], %swap3A_322 {strides = array<i32>} : memref<128x64xf32, #tpu.memory_space<vmem>>, vector<1x16xf32>,
      %add3A_323 = arith.addf %scan3A_309#2, %scan3A_309#6 : vector<16xf32>
      %swap3A_324 = arith.index_cast %add3A_264 : i32 to index
      %swap3A_325 = arith.constant 32 : index
      %swap3A_326 = tpu.vector_load %arg12[%swap3A_324, %swap3A_325] {strides = array<i32>} : memref<128x64xf32, #tpu.memory_space<vmem>>, vector<1x16xf32>,
      %swap3A_327 = vector.shape_cast %swap3A_326 : vector<1x16xf32> to vector<16xf32>
      %swap3A_328 = vector.shape_cast %add3A_323 : vector<16xf32> to vector<1x16xf32>
      tpu.vector_store %arg12[%swap3A_324, %swap3A_325], %swap3A_328 {strides = array<i32>} : memref<128x64xf32, #tpu.memory_space<vmem>>, vector<1x16xf32>,
      %add3A_329 = arith.addf %scan3A_309#3, %scan3A_309#7 : vector<16xf32>
      %swap3A_330 = arith.index_cast %add3A_264 : i32 to index
      %swap3A_331 = arith.constant 48 : index
      %swap3A_332 = tpu.vector_load %arg12[%swap3A_330, %swap3A_331] {strides = array<i32>} : memref<128x64xf32, #tpu.memory_space<vmem>>, vector<1x16xf32>,
      %swap3A_333 = vector.shape_cast %swap3A_332 : vector<1x16xf32> to vector<16xf32>
      %swap3A_334 = vector.shape_cast %add3A_329 : vector<16xf32> to vector<1x16xf32>
      tpu.vector_store %arg12[%swap3A_330, %swap3A_331], %swap3A_334 {strides = array<i32>} : memref<128x64xf32, #tpu.memory_space<vmem>>, vector<1x16xf32>,
      %add3A_335 = arith.constant 3 : i32
      %add3A_336 = arith.addi %mul3A_121, %add3A_335 : i32
      %add3A_337 = arith.constant 4 : i32
      %add3A_338 = arith.addi %add3A_336, %add3A_337 : i32
      %sub3A_339 = arith.constant 1 : i32
      %sub3A_340 = arith.subi %add3A_338, %sub3A_339 : i32
      %min3A_341 = arith.constant 127 : i32
      %min3A_342 = arith.minsi %sub3A_340, %min3A_341 : i32
      %mul3A_343 = arith.constant 128 : i32
      %mul3A_344 = arith.muli %min3A_342, %mul3A_343 : i32
      %dma_start3A_345 = arith.constant 0 : i32
      %dma_start3A_346 = arith.constant 0 : i32
      %dma_start3A_347 = tpu.memref_slice %arg10[%dma_start3A_345, %dma_start3A_346] : memref<200x64xf32, #tpu.memory_space<vmem>> -> memref<128x64xf32, #tpu.memory_space<vmem>>
      %dma_start3A_348 = tpu.memref_slice %arg6[%mul3A_344] : memref<16384xi32, #tpu.memory_space<vmem>> -> memref<128xi32, #tpu.memory_space<vmem>>
      %dma_start3A_349 = arith.constant 0 : i32
      %dma_start3A_350 = arith.constant 0 : i32
      %dma_start3A_351 = tpu.memref_slice %arg4[%dma_start3A_349, %dma_start3A_350] : memref<100000x64xf32, #tpu.memory_space<hbm>> -> memref<100000x64xf32, #tpu.memory_space<hbm>>
      tpu.enqueue_indirect_dma source(%dma_start3A_351 : memref<100000x64xf32, #tpu.memory_space<hbm>>) target(%dma_start3A_347 : memref<128x64xf32, #tpu.memory_space<vmem>>) offsets(%dma_start3A_348 : memref<128xi32, #tpu.memory_space<vmem>>) semaphore(%arg15 : memref<!tpu.dma_semaphore, #tpu.memory_space<semaphore_mem>>)
      %mul3A_352 = arith.constant 128 : i32
      %mul3A_353 = arith.muli %min3A_342, %mul3A_352 : i32
      %dma_start3A_354 = arith.constant 128 : i32
      %dma_start3A_355 = arith.constant 0 : i32
      %dma_start3A_356 = tpu.memref_slice %arg10[%dma_start3A_354, %dma_start3A_355] : memref<200x64xf32, #tpu.memory_space<vmem>> -> memref<72x64xf32, #tpu.memory_space<vmem>>
      %dma_start3A_357 = tpu.memref_slice %arg7[%mul3A_353] : memref<16384xi32, #tpu.memory_space<vmem>> -> memref<72xi32, #tpu.memory_space<vmem>>
      %dma_start3A_358 = arith.constant 0 : i32
      %dma_start3A_359 = arith.constant 0 : i32
      %dma_start3A_360 = tpu.memref_slice %arg4[%dma_start3A_358, %dma_start3A_359] : memref<100000x64xf32, #tpu.memory_space<hbm>> -> memref<100000x64xf32, #tpu.memory_space<hbm>>
      tpu.enqueue_indirect_dma source(%dma_start3A_360 : memref<100000x64xf32, #tpu.memory_space<hbm>>) target(%dma_start3A_356 : memref<72x64xf32, #tpu.memory_space<vmem>>) offsets(%dma_start3A_357 : memref<72xi32, #tpu.memory_space<vmem>>) semaphore(%arg15 : memref<!tpu.dma_semaphore, #tpu.memory_space<semaphore_mem>>)
      %dma_wait3A_361 = arith.constant 0 : i32
      %dma_wait3A_362 = arith.constant 0 : i32
      %dma_wait3A_363 = tpu.memref_slice %arg11[%dma_wait3A_361, %dma_wait3A_362] : memref<200x64xf32, #tpu.memory_space<vmem>> -> memref<128x64xf32, #tpu.memory_space<vmem>>
      %dma_wait3A_364 = arith.constant 0 : i32
      %dma_wait3A_365 = tpu.memref_slice %arg6[%dma_wait3A_364] : memref<16384xi32, #tpu.memory_space<vmem>> -> memref<128xi32, #tpu.memory_space<vmem>>
      %dma_wait3A_366 = arith.constant 0 : i32
      %dma_wait3A_367 = arith.constant 0 : i32
      %dma_wait3A_368 = tpu.memref_slice %arg4[%dma_wait3A_366, %dma_wait3A_367] : memref<100000x64xf32, #tpu.memory_space<hbm>> -> memref<100000x64xf32, #tpu.memory_space<hbm>>
      tpu.wait_indirect_dma semaphore(%arg16 : memref<!tpu.dma_semaphore, #tpu.memory_space<semaphore_mem>>) src(%dma_wait3A_368 : memref<100000x64xf32, #tpu.memory_space<hbm>>) dst(%dma_wait3A_363 : memref<128x64xf32, #tpu.memory_space<vmem>>)
      %dma_wait3A_369 = arith.constant 128 : i32
      %dma_wait3A_370 = arith.constant 0 : i32
      %dma_wait3A_371 = tpu.memref_slice %arg11[%dma_wait3A_369, %dma_wait3A_370] : memref<200x64xf32, #tpu.memory_space<vmem>> -> memref<72x64xf32, #tpu.memory_space<vmem>>
      %dma_wait3A_372 = arith.constant 0 : i32
      %dma_wait3A_373 = tpu.memref_slice %arg7[%dma_wait3A_372] : memref<16384xi32, #tpu.memory_space<vmem>> -> memref<72xi32, #tpu.memory_space<vmem>>
      %dma_wait3A_374 = arith.constant 0 : i32
      %dma_wait3A_375 = arith.constant 0 : i32
      %dma_wait3A_376 = tpu.memref_slice %arg4[%dma_wait3A_374, %dma_wait3A_375] : memref<100000x64xf32, #tpu.memory_space<hbm>> -> memref<100000x64xf32, #tpu.memory_space<hbm>>
      tpu.wait_indirect_dma semaphore(%arg16 : memref<!tpu.dma_semaphore, #tpu.memory_space<semaphore_mem>>) src(%dma_wait3A_376 : memref<100000x64xf32, #tpu.memory_space<hbm>>) dst(%dma_wait3A_371 : memref<72x64xf32, #tpu.memory_space<vmem>>)
      %scan3A_377 = arith.constant 0 : i32
      %scan3A_378 = arith.constant 25 : i32
      %scan3A_379 = arith.addi %scan3A_377, %scan3A_378 : i32
      %scan3A_380 = arith.constant 1 : i32
      %scan3A_381:8 = scf.for %scan3A_407 = %scan3A_377 to %scan3A_379 step %scan3A_380 iter_args(%scan3A_408 = %broadcast_in_dim3A_7, %scan3A_409 = %broadcast_in_dim3A_7, %scan3A_410 = %broadcast_in_dim3A_7, %scan3A_411 = %broadcast_in_dim3A_7, %scan3A_412 = %broadcast_in_dim3A_7, %scan3A_413 = %broadcast_in_dim3A_7, %scan3A_414 = %broadcast_in_dim3A_7, %scan3A_415 = %broadcast_in_dim3A_7) -> (vector<16xf32>, vector<16xf32>, vector<16xf32>, vector<16xf32>, vector<16xf32>, vector<16xf32>, vector<16xf32>, vector<16xf32>)  : i32 {
        %mul3A_416 = arith.constant 8 : i32
        %mul3A_417 = arith.muli %scan3A_407, %mul3A_416 : i32
        %add3A_418 = arith.constant 0 : i32
        %add3A_419 = arith.addi %mul3A_417, %add3A_418 : i32
        %get3A = arith.index_cast %add3A_419 : i32 to index
        %get3A_420 = arith.constant 0 : index
        %get3A_421 = tpu.vector_load %arg11[%get3A, %get3A_420] {strides = array<i32>} : memref<200x64xf32, #tpu.memory_space<vmem>>, vector<1x16xf32>,
        %get3A_422 = vector.shape_cast %get3A_421 : vector<1x16xf32> to vector<16xf32>
        %add3A_423 = arith.addf %scan3A_408, %get3A_422 : vector<16xf32>
        %get3A_424 = arith.index_cast %add3A_419 : i32 to index
        %get3A_425 = arith.constant 16 : index
        %get3A_426 = tpu.vector_load %arg11[%get3A_424, %get3A_425] {strides = array<i32>} : memref<200x64xf32, #tpu.memory_space<vmem>>, vector<1x16xf32>,
        %get3A_427 = vector.shape_cast %get3A_426 : vector<1x16xf32> to vector<16xf32>
        %add3A_428 = arith.addf %scan3A_409, %get3A_427 : vector<16xf32>
        %get3A_429 = arith.index_cast %add3A_419 : i32 to index
        %get3A_430 = arith.constant 32 : index
        %get3A_431 = tpu.vector_load %arg11[%get3A_429, %get3A_430] {strides = array<i32>} : memref<200x64xf32, #tpu.memory_space<vmem>>, vector<1x16xf32>,
        %get3A_432 = vector.shape_cast %get3A_431 : vector<1x16xf32> to vector<16xf32>
        %add3A_433 = arith.addf %scan3A_410, %get3A_432 : vector<16xf32>
        %get3A_434 = arith.index_cast %add3A_419 : i32 to index
        %get3A_435 = arith.constant 48 : index
        %get3A_436 = tpu.vector_load %arg11[%get3A_434, %get3A_435] {strides = array<i32>} : memref<200x64xf32, #tpu.memory_space<vmem>>, vector<1x16xf32>,
        %get3A_437 = vector.shape_cast %get3A_436 : vector<1x16xf32> to vector<16xf32>
        %add3A_438 = arith.addf %scan3A_411, %get3A_437 : vector<16xf32>
        %mul3A_439 = arith.constant 8 : i32
        %mul3A_440 = arith.muli %scan3A_407, %mul3A_439 : i32
        %add3A_441 = arith.constant 1 : i32
        %add3A_442 = arith.addi %mul3A_440, %add3A_441 : i32
        %get3A_443 = arith.index_cast %add3A_442 : i32 to index
        %get3A_444 = arith.constant 0 : index
        %get3A_445 = tpu.vector_load %arg11[%get3A_443, %get3A_444] {strides = array<i32>} : memref<200x64xf32, #tpu.memory_space<vmem>>, vector<1x16xf32>,
        %get3A_446 = vector.shape_cast %get3A_445 : vector<1x16xf32> to vector<16xf32>
        %add3A_447 = arith.addf %scan3A_412, %get3A_446 : vector<16xf32>
        %get3A_448 = arith.index_cast %add3A_442 : i32 to index
        %get3A_449 = arith.constant 16 : index
        %get3A_450 = tpu.vector_load %arg11[%get3A_448, %get3A_449] {strides = array<i32>} : memref<200x64xf32, #tpu.memory_space<vmem>>, vector<1x16xf32>,
        %get3A_451 = vector.shape_cast %get3A_450 : vector<1x16xf32> to vector<16xf32>
        %add3A_452 = arith.addf %scan3A_413, %get3A_451 : vector<16xf32>
        %get3A_453 = arith.index_cast %add3A_442 : i32 to index
        %get3A_454 = arith.constant 32 : index
        %get3A_455 = tpu.vector_load %arg11[%get3A_453, %get3A_454] {strides = array<i32>} : memref<200x64xf32, #tpu.memory_space<vmem>>, vector<1x16xf32>,
        %get3A_456 = vector.shape_cast %get3A_455 : vector<1x16xf32> to vector<16xf32>
        %add3A_457 = arith.addf %scan3A_414, %get3A_456 : vector<16xf32>
        %get3A_458 = arith.index_cast %add3A_442 : i32 to index
        %get3A_459 = arith.constant 48 : index
        %get3A_460 = tpu.vector_load %arg11[%get3A_458, %get3A_459] {strides = array<i32>} : memref<200x64xf32, #tpu.memory_space<vmem>>, vector<1x16xf32>,
        %get3A_461 = vector.shape_cast %get3A_460 : vector<1x16xf32> to vector<16xf32>
        %add3A_462 = arith.addf %scan3A_415, %get3A_461 : vector<16xf32>
        %mul3A_463 = arith.constant 8 : i32
        %mul3A_464 = arith.muli %scan3A_407, %mul3A_463 : i32
        %add3A_465 = arith.constant 2 : i32
        %add3A_466 = arith.addi %mul3A_464, %add3A_465 : i32
        %get3A_467 = arith.index_cast %add3A_466 : i32 to index
        %get3A_468 = arith.constant 0 : index
        %get3A_469 = tpu.vector_load %arg11[%get3A_467, %get3A_468] {strides = array<i32>} : memref<200x64xf32, #tpu.memory_space<vmem>>, vector<1x16xf32>,
        %get3A_470 = vector.shape_cast %get3A_469 : vector<1x16xf32> to vector<16xf32>
        %add3A_471 = arith.addf %add3A_423, %get3A_470 : vector<16xf32>
        %get3A_472 = arith.index_cast %add3A_466 : i32 to index
        %get3A_473 = arith.constant 16 : index
        %get3A_474 = tpu.vector_load %arg11[%get3A_472, %get3A_473] {strides = array<i32>} : memref<200x64xf32, #tpu.memory_space<vmem>>, vector<1x16xf32>,
        %get3A_475 = vector.shape_cast %get3A_474 : vector<1x16xf32> to vector<16xf32>
        %add3A_476 = arith.addf %add3A_428, %get3A_475 : vector<16xf32>
        %get3A_477 = arith.index_cast %add3A_466 : i32 to index
        %get3A_478 = arith.constant 32 : index
        %get3A_479 = tpu.vector_load %arg11[%get3A_477, %get3A_478] {strides = array<i32>} : memref<200x64xf32, #tpu.memory_space<vmem>>, vector<1x16xf32>,
        %get3A_480 = vector.shape_cast %get3A_479 : vector<1x16xf32> to vector<16xf32>
        %add3A_481 = arith.addf %add3A_433, %get3A_480 : vector<16xf32>
        %get3A_482 = arith.index_cast %add3A_466 : i32 to index
        %get3A_483 = arith.constant 48 : index
        %get3A_484 = tpu.vector_load %arg11[%get3A_482, %get3A_483] {strides = array<i32>} : memref<200x64xf32, #tpu.memory_space<vmem>>, vector<1x16xf32>,
        %get3A_485 = vector.shape_cast %get3A_484 : vector<1x16xf32> to vector<16xf32>
        %add3A_486 = arith.addf %add3A_438, %get3A_485 : vector<16xf32>
        %mul3A_487 = arith.constant 8 : i32
        %mul3A_488 = arith.muli %scan3A_407, %mul3A_487 : i32
        %add3A_489 = arith.constant 3 : i32
        %add3A_490 = arith.addi %mul3A_488, %add3A_489 : i32
        %get3A_491 = arith.index_cast %add3A_490 : i32 to index
        %get3A_492 = arith.constant 0 : index
        %get3A_493 = tpu.vector_load %arg11[%get3A_491, %get3A_492] {strides = array<i32>} : memref<200x64xf32, #tpu.memory_space<vmem>>, vector<1x16xf32>,
        %get3A_494 = vector.shape_cast %get3A_493 : vector<1x16xf32> to vector<16xf32>
        %add3A_495 = arith.addf %add3A_447, %get3A_494 : vector<16xf32>
        %get3A_496 = arith.index_cast %add3A_490 : i32 to index
        %get3A_497 = arith.constant 16 : index
        %get3A_498 = tpu.vector_load %arg11[%get3A_496, %get3A_497] {strides = array<i32>} : memref<200x64xf32, #tpu.memory_space<vmem>>, vector<1x16xf32>,
        %get3A_499 = vector.shape_cast %get3A_498 : vector<1x16xf32> to vector<16xf32>
        %add3A_500 = arith.addf %add3A_452, %get3A_499 : vector<16xf32>
        %get3A_501 = arith.index_cast %add3A_490 : i32 to index
        %get3A_502 = arith.constant 32 : index
        %get3A_503 = tpu.vector_load %arg11[%get3A_501, %get3A_502] {strides = array<i32>} : memref<200x64xf32, #tpu.memory_space<vmem>>, vector<1x16xf32>,
        %get3A_504 = vector.shape_cast %get3A_503 : vector<1x16xf32> to vector<16xf32>
        %add3A_505 = arith.addf %add3A_457, %get3A_504 : vector<16xf32>
        %get3A_506 = arith.index_cast %add3A_490 : i32 to index
        %get3A_507 = arith.constant 48 : index
        %get3A_508 = tpu.vector_load %arg11[%get3A_506, %get3A_507] {strides = array<i32>} : memref<200x64xf32, #tpu.memory_space<vmem>>, vector<1x16xf32>,
        %get3A_509 = vector.shape_cast %get3A_508 : vector<1x16xf32> to vector<16xf32>
        %add3A_510 = arith.addf %add3A_462, %get3A_509 : vector<16xf32>
        %mul3A_511 = arith.constant 8 : i32
        %mul3A_512 = arith.muli %scan3A_407, %mul3A_511 : i32
        %add3A_513 = arith.constant 4 : i32
        %add3A_514 = arith.addi %mul3A_512, %add3A_513 : i32
        %get3A_515 = arith.index_cast %add3A_514 : i32 to index
        %get3A_516 = arith.constant 0 : index
        %get3A_517 = tpu.vector_load %arg11[%get3A_515, %get3A_516] {strides = array<i32>} : memref<200x64xf32, #tpu.memory_space<vmem>>, vector<1x16xf32>,
        %get3A_518 = vector.shape_cast %get3A_517 : vector<1x16xf32> to vector<16xf32>
        %add3A_519 = arith.addf %add3A_471, %get3A_518 : vector<16xf32>
        %get3A_520 = arith.index_cast %add3A_514 : i32 to index
        %get3A_521 = arith.constant 16 : index
        %get3A_522 = tpu.vector_load %arg11[%get3A_520, %get3A_521] {strides = array<i32>} : memref<200x64xf32, #tpu.memory_space<vmem>>, vector<1x16xf32>,
        %get3A_523 = vector.shape_cast %get3A_522 : vector<1x16xf32> to vector<16xf32>
        %add3A_524 = arith.addf %add3A_476, %get3A_523 : vector<16xf32>
        %get3A_525 = arith.index_cast %add3A_514 : i32 to index
        %get3A_526 = arith.constant 32 : index
        %get3A_527 = tpu.vector_load %arg11[%get3A_525, %get3A_526] {strides = array<i32>} : memref<200x64xf32, #tpu.memory_space<vmem>>, vector<1x16xf32>,
        %get3A_528 = vector.shape_cast %get3A_527 : vector<1x16xf32> to vector<16xf32>
        %add3A_529 = arith.addf %add3A_481, %get3A_528 : vector<16xf32>
        %get3A_530 = arith.index_cast %add3A_514 : i32 to index
        %get3A_531 = arith.constant 48 : index
        %get3A_532 = tpu.vector_load %arg11[%get3A_530, %get3A_531] {strides = array<i32>} : memref<200x64xf32, #tpu.memory_space<vmem>>, vector<1x16xf32>,
        %get3A_533 = vector.shape_cast %get3A_532 : vector<1x16xf32> to vector<16xf32>
        %add3A_534 = arith.addf %add3A_486, %get3A_533 : vector<16xf32>
        %mul3A_535 = arith.constant 8 : i32
        %mul3A_536 = arith.muli %scan3A_407, %mul3A_535 : i32
        %add3A_537 = arith.constant 5 : i32
        %add3A_538 = arith.addi %mul3A_536, %add3A_537 : i32
        %get3A_539 = arith.index_cast %add3A_538 : i32 to index
        %get3A_540 = arith.constant 0 : index
        %get3A_541 = tpu.vector_load %arg11[%get3A_539, %get3A_540] {strides = array<i32>} : memref<200x64xf32, #tpu.memory_space<vmem>>, vector<1x16xf32>,
        %get3A_542 = vector.shape_cast %get3A_541 : vector<1x16xf32> to vector<16xf32>
        %add3A_543 = arith.addf %add3A_495, %get3A_542 : vector<16xf32>
        %get3A_544 = arith.index_cast %add3A_538 : i32 to index
        %get3A_545 = arith.constant 16 : index
        %get3A_546 = tpu.vector_load %arg11[%get3A_544, %get3A_545] {strides = array<i32>} : memref<200x64xf32, #tpu.memory_space<vmem>>, vector<1x16xf32>,
        %get3A_547 = vector.shape_cast %get3A_546 : vector<1x16xf32> to vector<16xf32>
        %add3A_548 = arith.addf %add3A_500, %get3A_547 : vector<16xf32>
        %get3A_549 = arith.index_cast %add3A_538 : i32 to index
        %get3A_550 = arith.constant 32 : index
        %get3A_551 = tpu.vector_load %arg11[%get3A_549, %get3A_550] {strides = array<i32>} : memref<200x64xf32, #tpu.memory_space<vmem>>, vector<1x16xf32>,
        %get3A_552 = vector.shape_cast %get3A_551 : vector<1x16xf32> to vector<16xf32>
        %add3A_553 = arith.addf %add3A_505, %get3A_552 : vector<16xf32>
        %get3A_554 = arith.index_cast %add3A_538 : i32 to index
        %get3A_555 = arith.constant 48 : index
        %get3A_556 = tpu.vector_load %arg11[%get3A_554, %get3A_555] {strides = array<i32>} : memref<200x64xf32, #tpu.memory_space<vmem>>, vector<1x16xf32>,
        %get3A_557 = vector.shape_cast %get3A_556 : vector<1x16xf32> to vector<16xf32>
        %add3A_558 = arith.addf %add3A_510, %get3A_557 : vector<16xf32>
        %mul3A_559 = arith.constant 8 : i32
        %mul3A_560 = arith.muli %scan3A_407, %mul3A_559 : i32
        %add3A_561 = arith.constant 6 : i32
        %add3A_562 = arith.addi %mul3A_560, %add3A_561 : i32
        %get3A_563 = arith.index_cast %add3A_562 : i32 to index
        %get3A_564 = arith.constant 0 : index
        %get3A_565 = tpu.vector_load %arg11[%get3A_563, %get3A_564] {strides = array<i32>} : memref<200x64xf32, #tpu.memory_space<vmem>>, vector<1x16xf32>,
        %get3A_566 = vector.shape_cast %get3A_565 : vector<1x16xf32> to vector<16xf32>
        %add3A_567 = arith.addf %add3A_519, %get3A_566 : vector<16xf32>
        %get3A_568 = arith.index_cast %add3A_562 : i32 to index
        %get3A_569 = arith.constant 16 : index
        %get3A_570 = tpu.vector_load %arg11[%get3A_568, %get3A_569] {strides = array<i32>} : memref<200x64xf32, #tpu.memory_space<vmem>>, vector<1x16xf32>,
        %get3A_571 = vector.shape_cast %get3A_570 : vector<1x16xf32> to vector<16xf32>
        %add3A_572 = arith.addf %add3A_524, %get3A_571 : vector<16xf32>
        %get3A_573 = arith.index_cast %add3A_562 : i32 to index
        %get3A_574 = arith.constant 32 : index
        %get3A_575 = tpu.vector_load %arg11[%get3A_573, %get3A_574] {strides = array<i32>} : memref<200x64xf32, #tpu.memory_space<vmem>>, vector<1x16xf32>,
        %get3A_576 = vector.shape_cast %get3A_575 : vector<1x16xf32> to vector<16xf32>
        %add3A_577 = arith.addf %add3A_529, %get3A_576 : vector<16xf32>
        %get3A_578 = arith.index_cast %add3A_562 : i32 to index
        %get3A_579 = arith.constant 48 : index
        %get3A_580 = tpu.vector_load %arg11[%get3A_578, %get3A_579] {strides = array<i32>} : memref<200x64xf32, #tpu.memory_space<vmem>>, vector<1x16xf32>,
        %get3A_581 = vector.shape_cast %get3A_580 : vector<1x16xf32> to vector<16xf32>
        %add3A_582 = arith.addf %add3A_534, %get3A_581 : vector<16xf32>
        %mul3A_583 = arith.constant 8 : i32
        %mul3A_584 = arith.muli %scan3A_407, %mul3A_583 : i32
        %add3A_585 = arith.constant 7 : i32
        %add3A_586 = arith.addi %mul3A_584, %add3A_585 : i32
        %get3A_587 = arith.index_cast %add3A_586 : i32 to index
        %get3A_588 = arith.constant 0 : index
        %get3A_589 = tpu.vector_load %arg11[%get3A_587, %get3A_588] {strides = array<i32>} : memref<200x64xf32, #tpu.memory_space<vmem>>, vector<1x16xf32>,
        %get3A_590 = vector.shape_cast %get3A_589 : vector<1x16xf32> to vector<16xf32>
        %add3A_591 = arith.addf %add3A_543, %get3A_590 : vector<16xf32>
        %get3A_592 = arith.index_cast %add3A_586 : i32 to index
        %get3A_593 = arith.constant 16 : index
        %get3A_594 = tpu.vector_load %arg11[%get3A_592, %get3A_593] {strides = array<i32>} : memref<200x64xf32, #tpu.memory_space<vmem>>, vector<1x16xf32>,
        %get3A_595 = vector.shape_cast %get3A_594 : vector<1x16xf32> to vector<16xf32>
        %add3A_596 = arith.addf %add3A_548, %get3A_595 : vector<16xf32>
        %get3A_597 = arith.index_cast %add3A_586 : i32 to index
        %get3A_598 = arith.constant 32 : index
        %get3A_599 = tpu.vector_load %arg11[%get3A_597, %get3A_598] {strides = array<i32>} : memref<200x64xf32, #tpu.memory_space<vmem>>, vector<1x16xf32>,
        %get3A_600 = vector.shape_cast %get3A_599 : vector<1x16xf32> to vector<16xf32>
        %add3A_601 = arith.addf %add3A_553, %get3A_600 : vector<16xf32>
        %get3A_602 = arith.index_cast %add3A_586 : i32 to index
        %get3A_603 = arith.constant 48 : index
        %get3A_604 = tpu.vector_load %arg11[%get3A_602, %get3A_603] {strides = array<i32>} : memref<200x64xf32, #tpu.memory_space<vmem>>, vector<1x16xf32>,
        %get3A_605 = vector.shape_cast %get3A_604 : vector<1x16xf32> to vector<16xf32>
        %add3A_606 = arith.addf %add3A_558, %get3A_605 : vector<16xf32>
        scf.yield %add3A_567, %add3A_572, %add3A_577, %add3A_582, %add3A_591, %add3A_596, %add3A_601, %add3A_606 : vector<16xf32>, vector<16xf32>, vector<16xf32>, vector<16xf32>, vector<16xf32>, vector<16xf32>, vector<16xf32>, vector<16xf32>
      }
      %scan3A_382 = arith.constant 25 : i32
      %add3A_383 = arith.addf %scan3A_381#0, %scan3A_381#4 : vector<16xf32>
      %swap3A_384 = arith.index_cast %add3A_336 : i32 to index
      %swap3A_385 = arith.constant 0 : index
      %swap3A_386 = tpu.vector_load %arg12[%swap3A_384, %swap3A_385] {strides = array<i32>} : memref<128x64xf32, #tpu.memory_space<vmem>>, vector<1x16xf32>,
      %swap3A_387 = vector.shape_cast %swap3A_386 : vector<1x16xf32> to vector<16xf32>
      %swap3A_388 = vector.shape_cast %add3A_383 : vector<16xf32> to vector<1x16xf32>
      tpu.vector_store %arg12[%swap3A_384, %swap3A_385], %swap3A_388 {strides = array<i32>} : memref<128x64xf32, #tpu.memory_space<vmem>>, vector<1x16xf32>,
      %add3A_389 = arith.addf %scan3A_381#1, %scan3A_381#5 : vector<16xf32>
      %swap3A_390 = arith.index_cast %add3A_336 : i32 to index
      %swap3A_391 = arith.constant 16 : index
      %swap3A_392 = tpu.vector_load %arg12[%swap3A_390, %swap3A_391] {strides = array<i32>} : memref<128x64xf32, #tpu.memory_space<vmem>>, vector<1x16xf32>,
      %swap3A_393 = vector.shape_cast %swap3A_392 : vector<1x16xf32> to vector<16xf32>
      %swap3A_394 = vector.shape_cast %add3A_389 : vector<16xf32> to vector<1x16xf32>
      tpu.vector_store %arg12[%swap3A_390, %swap3A_391], %swap3A_394 {strides = array<i32>} : memref<128x64xf32, #tpu.memory_space<vmem>>, vector<1x16xf32>,
      %add3A_395 = arith.addf %scan3A_381#2, %scan3A_381#6 : vector<16xf32>
      %swap3A_396 = arith.index_cast %add3A_336 : i32 to index
      %swap3A_397 = arith.constant 32 : index
      %swap3A_398 = tpu.vector_load %arg12[%swap3A_396, %swap3A_397] {strides = array<i32>} : memref<128x64xf32, #tpu.memory_space<vmem>>, vector<1x16xf32>,
      %swap3A_399 = vector.shape_cast %swap3A_398 : vector<1x16xf32> to vector<16xf32>
      %swap3A_400 = vector.shape_cast %add3A_395 : vector<16xf32> to vector<1x16xf32>
      tpu.vector_store %arg12[%swap3A_396, %swap3A_397], %swap3A_400 {strides = array<i32>} : memref<128x64xf32, #tpu.memory_space<vmem>>, vector<1x16xf32>,
      %add3A_401 = arith.addf %scan3A_381#3, %scan3A_381#7 : vector<16xf32>
      %swap3A_402 = arith.index_cast %add3A_336 : i32 to index
      %swap3A_403 = arith.constant 48 : index
      %swap3A_404 = tpu.vector_load %arg12[%swap3A_402, %swap3A_403] {strides = array<i32>} : memref<128x64xf32, #tpu.memory_space<vmem>>, vector<1x16xf32>,
      %swap3A_405 = vector.shape_cast %swap3A_404 : vector<1x16xf32> to vector<16xf32>
      %swap3A_406 = vector.shape_cast %add3A_401 : vector<16xf32> to vector<1x16xf32>
      tpu.vector_store %arg12[%swap3A_402, %swap3A_403], %swap3A_406 {strides = array<i32>} : memref<128x64xf32, #tpu.memory_space<vmem>>, vector<1x16xf32>,
    }
    %scan3A_71 = arith.constant 32 : i32
    %dma_wait3A = arith.constant 0 : i32
    %dma_wait3A_72 = arith.constant 0 : i32
    %dma_wait3A_73 = tpu.memref_slice %arg8[%dma_wait3A, %dma_wait3A_72] : memref<200x64xf32, #tpu.memory_space<vmem>> -> memref<128x64xf32, #tpu.memory_space<vmem>>
    %dma_wait3A_74 = arith.constant 0 : i32
    %dma_wait3A_75 = tpu.memref_slice %arg6[%dma_wait3A_74] : memref<16384xi32, #tpu.memory_space<vmem>> -> memref<128xi32, #tpu.memory_space<vmem>>
    %dma_wait3A_76 = arith.constant 0 : i32
    %dma_wait3A_77 = arith.constant 0 : i32
    %dma_wait3A_78 = tpu.memref_slice %arg4[%dma_wait3A_76, %dma_wait3A_77] : memref<100000x64xf32, #tpu.memory_space<hbm>> -> memref<100000x64xf32, #tpu.memory_space<hbm>>
    tpu.wait_indirect_dma semaphore(%arg13 : memref<!tpu.dma_semaphore, #tpu.memory_space<semaphore_mem>>) src(%dma_wait3A_78 : memref<100000x64xf32, #tpu.memory_space<hbm>>) dst(%dma_wait3A_73 : memref<128x64xf32, #tpu.memory_space<vmem>>)
    %dma_wait3A_79 = arith.constant 128 : i32
    %dma_wait3A_80 = arith.constant 0 : i32
    %dma_wait3A_81 = tpu.memref_slice %arg8[%dma_wait3A_79, %dma_wait3A_80] : memref<200x64xf32, #tpu.memory_space<vmem>> -> memref<72x64xf32, #tpu.memory_space<vmem>>
    %dma_wait3A_82 = arith.constant 0 : i32
    %dma_wait3A_83 = tpu.memref_slice %arg7[%dma_wait3A_82] : memref<16384xi32, #tpu.memory_space<vmem>> -> memref<72xi32, #tpu.memory_space<vmem>>
    %dma_wait3A_84 = arith.constant 0 : i32
    %dma_wait3A_85 = arith.constant 0 : i32
    %dma_wait3A_86 = tpu.memref_slice %arg4[%dma_wait3A_84, %dma_wait3A_85] : memref<100000x64xf32, #tpu.memory_space<hbm>> -> memref<100000x64xf32, #tpu.memory_space<hbm>>
    tpu.wait_indirect_dma semaphore(%arg13 : memref<!tpu.dma_semaphore, #tpu.memory_space<semaphore_mem>>) src(%dma_wait3A_86 : memref<100000x64xf32, #tpu.memory_space<hbm>>) dst(%dma_wait3A_81 : memref<72x64xf32, #tpu.memory_space<vmem>>)
    %dma_wait3A_87 = arith.constant 0 : i32
    %dma_wait3A_88 = arith.constant 0 : i32
    %dma_wait3A_89 = tpu.memref_slice %arg9[%dma_wait3A_87, %dma_wait3A_88] : memref<200x64xf32, #tpu.memory_space<vmem>> -> memref<128x64xf32, #tpu.memory_space<vmem>>
    %dma_wait3A_90 = arith.constant 0 : i32
    %dma_wait3A_91 = tpu.memref_slice %arg6[%dma_wait3A_90] : memref<16384xi32, #tpu.memory_space<vmem>> -> memref<128xi32, #tpu.memory_space<vmem>>
    %dma_wait3A_92 = arith.constant 0 : i32
    %dma_wait3A_93 = arith.constant 0 : i32
    %dma_wait3A_94 = tpu.memref_slice %arg4[%dma_wait3A_92, %dma_wait3A_93] : memref<100000x64xf32, #tpu.memory_space<hbm>> -> memref<100000x64xf32, #tpu.memory_space<hbm>>
    tpu.wait_indirect_dma semaphore(%arg14 : memref<!tpu.dma_semaphore, #tpu.memory_space<semaphore_mem>>) src(%dma_wait3A_94 : memref<100000x64xf32, #tpu.memory_space<hbm>>) dst(%dma_wait3A_89 : memref<128x64xf32, #tpu.memory_space<vmem>>)
    %dma_wait3A_95 = arith.constant 128 : i32
    %dma_wait3A_96 = arith.constant 0 : i32
    %dma_wait3A_97 = tpu.memref_slice %arg9[%dma_wait3A_95, %dma_wait3A_96] : memref<200x64xf32, #tpu.memory_space<vmem>> -> memref<72x64xf32, #tpu.memory_space<vmem>>
    %dma_wait3A_98 = arith.constant 0 : i32
    %dma_wait3A_99 = tpu.memref_slice %arg7[%dma_wait3A_98] : memref<16384xi32, #tpu.memory_space<vmem>> -> memref<72xi32, #tpu.memory_space<vmem>>
    %dma_wait3A_100 = arith.constant 0 : i32
    %dma_wait3A_101 = arith.constant 0 : i32
    %dma_wait3A_102 = tpu.memref_slice %arg4[%dma_wait3A_100, %dma_wait3A_101] : memref<100000x64xf32, #tpu.memory_space<hbm>> -> memref<100000x64xf32, #tpu.memory_space<hbm>>
    tpu.wait_indirect_dma semaphore(%arg14 : memref<!tpu.dma_semaphore, #tpu.memory_space<semaphore_mem>>) src(%dma_wait3A_102 : memref<100000x64xf32, #tpu.memory_space<hbm>>) dst(%dma_wait3A_97 : memref<72x64xf32, #tpu.memory_space<vmem>>)
    %dma_wait3A_103 = arith.constant 0 : i32
    %dma_wait3A_104 = arith.constant 0 : i32
    %dma_wait3A_105 = tpu.memref_slice %arg10[%dma_wait3A_103, %dma_wait3A_104] : memref<200x64xf32, #tpu.memory_space<vmem>> -> memref<128x64xf32, #tpu.memory_space<vmem>>
    %dma_wait3A_106 = arith.constant 0 : i32
    %dma_wait3A_107 = tpu.memref_slice %arg6[%dma_wait3A_106] : memref<16384xi32, #tpu.memory_space<vmem>> -> memref<128xi32, #tpu.memory_space<vmem>>
    %dma_wait3A_108 = arith.constant 0 : i32
    %dma_wait3A_109 = arith.constant 0 : i32
    %dma_wait3A_110 = tpu.memref_slice %arg4[%dma_wait3A_108, %dma_wait3A_109] : memref<100000x64xf32, #tpu.memory_space<hbm>> -> memref<100000x64xf32, #tpu.memory_space<hbm>>
    tpu.wait_indirect_dma semaphore(%arg15 : memref<!tpu.dma_semaphore, #tpu.memory_space<semaphore_mem>>) src(%dma_wait3A_110 : memref<100000x64xf32, #tpu.memory_space<hbm>>) dst(%dma_wait3A_105 : memref<128x64xf32, #tpu.memory_space<vmem>>)
    %dma_wait3A_111 = arith.constant 128 : i32
    %dma_wait3A_112 = arith.constant 0 : i32
    %dma_wait3A_113 = tpu.memref_slice %arg10[%dma_wait3A_111, %dma_wait3A_112] : memref<200x64xf32, #tpu.memory_space<vmem>> -> memref<72x64xf32, #tpu.memory_space<vmem>>
    %dma_wait3A_114 = arith.constant 0 : i32
    %dma_wait3A_115 = tpu.memref_slice %arg7[%dma_wait3A_114] : memref<16384xi32, #tpu.memory_space<vmem>> -> memref<72xi32, #tpu.memory_space<vmem>>
    %dma_wait3A_116 = arith.constant 0 : i32
    %dma_wait3A_117 = arith.constant 0 : i32
    %dma_wait3A_118 = tpu.memref_slice %arg4[%dma_wait3A_116, %dma_wait3A_117] : memref<100000x64xf32, #tpu.memory_space<hbm>> -> memref<100000x64xf32, #tpu.memory_space<hbm>>
    tpu.wait_indirect_dma semaphore(%arg15 : memref<!tpu.dma_semaphore, #tpu.memory_space<semaphore_mem>>) src(%dma_wait3A_118 : memref<100000x64xf32, #tpu.memory_space<hbm>>) dst(%dma_wait3A_113 : memref<72x64xf32, #tpu.memory_space<vmem>>)
    "tpu.region"() ({
      %run_scoped3A = tpu.sem_alloc : memref<!tpu.dma_semaphore, #tpu.memory_space<semaphore_mem>>
      %dma_start3A_119 = arith.constant 0 : i32
      %dma_start3A_120 = tpu.memref_slice %arg5[%mul3A_2, %dma_start3A_119] : memref<4096x64xf32, #tpu.memory_space<hbm>> -> memref<128x64xf32, #tpu.memory_space<hbm>>
      %dma_start3A_121 = arith.constant 0 : i32
      %dma_start3A_122 = tpu.memref_slice %arg5[%mul3A_2, %dma_start3A_121] : memref<4096x64xf32, #tpu.memory_space<hbm>> -> memref<128x64xf32, #tpu.memory_space<hbm>>
      tpu.enqueue_dma source(%arg12 : memref<128x64xf32, #tpu.memory_space<vmem>>) target(%dma_start3A_122 : memref<128x64xf32, #tpu.memory_space<hbm>>) target_semaphore(%run_scoped3A : memref<!tpu.dma_semaphore, #tpu.memory_space<semaphore_mem>>)
      %dma_wait3A_123 = arith.constant 0 : i32
      %dma_wait3A_124 = tpu.memref_slice %arg5[%mul3A_2, %dma_wait3A_123] : memref<4096x64xf32, #tpu.memory_space<hbm>> -> memref<128x64xf32, #tpu.memory_space<hbm>>
      %dma_wait3A_125 = arith.constant 0 : i32
      %dma_wait3A_126 = tpu.memref_slice %arg5[%mul3A_2, %dma_wait3A_125] : memref<4096x64xf32, #tpu.memory_space<hbm>> -> memref<128x64xf32, #tpu.memory_space<hbm>>
      tpu.wait_dma2 semaphore(%run_scoped3A : memref<!tpu.dma_semaphore, #tpu.memory_space<semaphore_mem>>) src(%arg12 : memref<128x64xf32, #tpu.memory_space<vmem>>) dst(%dma_wait3A_126 : memref<128x64xf32, #tpu.memory_space<hbm>>)
      tpu.yield
    }) : () -> ()
    return
  }
}

module attributes {stable_mosaic.version = 14 : i64} {
  func.func @_mlp_body(%arg0: i32, %arg1: memref<512x64xf32, #tpu.memory_space<vmem>>, %arg2: memref<512x1xi32, #tpu.memory_space<vmem>>, %arg3: memref<64x1000xf32, #tpu.memory_space<vmem>>, %arg4: memref<1x1000xf32, #tpu.memory_space<vmem>>, %arg5: memref<1000x10xf32, #tpu.memory_space<vmem>>, %arg6: memref<1x10xf32, #tpu.memory_space<vmem>>, %arg7: memref<512x10xf32, #tpu.memory_space<vmem>>) attributes {dimension_semantics = [#tpu.dimension_semantics<arbitrary>], iteration_bounds = array<i64: 8>, scalar_prefetch = 0 : i64, scratch_operands = 0 : i64, tpu.core_type = #tpu.core_type<tc>, window_params = [{transform_indices = @transform_0, window_bounds = array<i64: 512, 64>}, {transform_indices = @transform_1, window_bounds = array<i64: 512, 1>}, {pipeline_mode = #tpu.pipeline_mode<synchronous>, transform_indices = @transform_2, window_bounds = array<i64: 64, 1000>}, {pipeline_mode = #tpu.pipeline_mode<synchronous>, transform_indices = @transform_3, window_bounds = array<i64: 1, 1000>}, {pipeline_mode = #tpu.pipeline_mode<synchronous>, transform_indices = @transform_4, window_bounds = array<i64: 1000, 10>}, {pipeline_mode = #tpu.pipeline_mode<synchronous>, transform_indices = @transform_5, window_bounds = array<i64: 1, 10>}, {transform_indices = @transform_6, window_bounds = array<i64: 512, 10>}]} {
    %get3A = arith.constant 0 : index
    %get3A_0 = arith.constant 0 : index
    %get3A_1 = vector.load %arg2[%get3A, %get3A_0] : memref<512x1xi32, #tpu.memory_space<vmem>>, vector<512x1xi32>
    %convert_element_type3A = arith.sitofp %get3A_1 : vector<512x1xi32> to vector<512x1xf32>
    %div3A = arith.constant 1.000000e+00 : f32
    %div3A_2 = vector.broadcast %div3A : f32 to vector<512x1xf32>
    %div3A_3 = arith.divf %div3A_2, %convert_element_type3A : vector<512x1xf32>
    %get3A_4 = arith.constant 0 : index
    %get3A_5 = arith.constant 0 : index
    %get3A_6 = vector.load %arg1[%get3A_4, %get3A_5] : memref<512x64xf32, #tpu.memory_space<vmem>>, vector<512x64xf32>
    %mul3A = vector.broadcast %div3A_3 : vector<512x1xf32> to vector<512x64xf32>
    %mul3A_7 = arith.mulf %get3A_6, %mul3A : vector<512x64xf32>
    %get3A_8 = arith.constant 0 : index
    %get3A_9 = arith.constant 0 : index
    %get3A_10 = vector.load %arg3[%get3A_8, %get3A_9] : memref<64x1000xf32, #tpu.memory_space<vmem>>, vector<64x1000xf32>
    %dot_general3A = arith.constant dense<0.000000e+00> : vector<512x1000xf32>
    %dot_general3A_11 = tpu.matmul %mul3A_7, %get3A_10, %dot_general3A {dimension_numbers = #tpu.dot_dimension_numbers<[1], [0], [0], [1], [0, 0, 1, 1], [], []>, transpose_lhs_hint = false} : vector<512x64xf32>, vector<64x1000xf32>, vector<512x1000xf32> -> vector<512x1000xf32>
    %get3A_12 = arith.constant 0 : index
    %get3A_13 = arith.constant 0 : index
    %get3A_14 = vector.load %arg4[%get3A_12, %get3A_13] : memref<1x1000xf32, #tpu.memory_space<vmem>>, vector<1x1000xf32>
    %add3A = vector.broadcast %get3A_14 : vector<1x1000xf32> to vector<512x1000xf32>
    %add3A_15 = arith.addf %dot_general3A_11, %add3A : vector<512x1000xf32>
    %max3A = arith.constant 0.000000e+00 : f32
    %max3A_16 = vector.broadcast %max3A : f32 to vector<512x1000xf32>
    %max3A_17 = arith.maximumf %add3A_15, %max3A_16 : vector<512x1000xf32>
    %get3A_18 = arith.constant 0 : index
    %get3A_19 = arith.constant 0 : index
    %get3A_20 = vector.load %arg5[%get3A_18, %get3A_19] : memref<1000x10xf32, #tpu.memory_space<vmem>>, vector<1000x10xf32>
    %dot_general3A_21 = arith.constant dense<0.000000e+00> : vector<512x10xf32>
    %dot_general3A_22 = tpu.matmul %max3A_17, %get3A_20, %dot_general3A_21 {dimension_numbers = #tpu.dot_dimension_numbers<[1], [0], [0], [1], [0, 0, 1, 1], [], []>, transpose_lhs_hint = false} : vector<512x1000xf32>, vector<1000x10xf32>, vector<512x10xf32> -> vector<512x10xf32>
    %get3A_23 = arith.constant 0 : index
    %get3A_24 = arith.constant 0 : index
    %get3A_25 = vector.load %arg6[%get3A_23, %get3A_24] : memref<1x10xf32, #tpu.memory_space<vmem>>, vector<1x10xf32>
    %add3A_26 = vector.broadcast %get3A_25 : vector<1x10xf32> to vector<512x10xf32>
    %add3A_27 = arith.addf %dot_general3A_22, %add3A_26 : vector<512x10xf32>
    %swap3A = arith.constant 0 : index
    %swap3A_28 = arith.constant 0 : index
    %swap3A_29 = vector.load %arg7[%swap3A, %swap3A_28] : memref<512x10xf32, #tpu.memory_space<vmem>>, vector<512x10xf32>
    tpu.vector_store %arg7[%swap3A, %swap3A_28], %add3A_27 {strides = array<i32>} : memref<512x10xf32, #tpu.memory_space<vmem>>, vector<512x10xf32>,
    return
  }
  func.func @transform_0(%arg0: i32) -> (i32, i32) {
    %c0_i32 = arith.constant 0 : i32
    %c0_i32_0 = arith.constant 0 : i32
    return %arg0, %c0_i32 : i32, i32
  }
  func.func @transform_1(%arg0: i32) -> (i32, i32) {
    %c0_i32 = arith.constant 0 : i32
    %c0_i32_0 = arith.constant 0 : i32
    return %arg0, %c0_i32 : i32, i32
  }
  func.func @transform_2(%arg0: i32) -> (i32, i32) {
    %c0_i32 = arith.constant 0 : i32
    %c0_i32_0 = arith.constant 0 : i32
    %c0_i32_1 = arith.constant 0 : i32
    return %c0_i32, %c0_i32_0 : i32, i32
  }
  func.func @transform_3(%arg0: i32) -> (i32, i32) {
    %c0_i32 = arith.constant 0 : i32
    %c0_i32_0 = arith.constant 0 : i32
    %c0_i32_1 = arith.constant 0 : i32
    return %c0_i32, %c0_i32_0 : i32, i32
  }
  func.func @transform_4(%arg0: i32) -> (i32, i32) {
    %c0_i32 = arith.constant 0 : i32
    %c0_i32_0 = arith.constant 0 : i32
    %c0_i32_1 = arith.constant 0 : i32
    return %c0_i32, %c0_i32_0 : i32, i32
  }
  func.func @transform_5(%arg0: i32) -> (i32, i32) {
    %c0_i32 = arith.constant 0 : i32
    %c0_i32_0 = arith.constant 0 : i32
    %c0_i32_1 = arith.constant 0 : i32
    return %c0_i32, %c0_i32_0 : i32, i32
  }
  func.func @transform_6(%arg0: i32) -> (i32, i32) {
    %c0_i32 = arith.constant 0 : i32
    %c0_i32_0 = arith.constant 0 : i32
    return %arg0, %c0_i32 : i32, i32
  }
}

</mosaic_0001>

<sc_bundles>
// kernel: kernel.4.cloned.1.call-start
scs
__scs_entry_jumppad:
0x0: {  	(pc) =	sbr.rel $0x88, $3  }
0x1: {  	(tag) =	ssettag $0x0;
	lr =	simm.s32 $0x1  }
0x2: {  	[smem:$0x3F9A] =	sst lr;
	_ =	strace $0xD0000000  }
0x3: {  	_ = 	snop  }
0x4: {  	_ = 	snop  }
0x5: {  	_ = 	snop  }
0x6: {  	_ = 	snop  }
0x7: {  	_ = 	snop  }
__scs_overlays_trampoline_lowered:
0x8: {  	[smem:$0x3FA9] =	sst s0  }
0x9: {  	[smem:$0x3FAA] =	sst s1  }
0xa: {  	[smem:$0x3FAB] =	sst s2  }
0xb: {  	[smem:$0x3FAC] =	sst s3  }
0xc: {  	[smem:$0x3FAD] =	sst s4  }
0xd: {  	[smem:$0x3FAE] =	sst s5  }
0xe: {  	[smem:$0x3FAF] =	sst s6  }
0xf: {  	[smem:$0x3FB0] =	sst s7  }
0x10: {  	[smem:$0x3FB1] =	sst s8  }
0x11: {  	[smem:$0x3FB2] =	sst s9;
	s0 =	simm.s32 @!p0 $0x0  }
0x12: {  	s1 =	sld [smem:$0x3F98];
	s0 =	simm.s32 @p0 $0x1  }
0x13: {  	[smem:$0x3FB3] =	sst s0;
	s0 =	simm.s32 @!p1 $0x0  }
0x14: {  	s2 =	sld [smem:$0x3F97];
	s0 =	simm.s32 @p1 $0x1  }
0x15: {  	[smem:$0x3FB4] =	sst s0;
	s0 =	simm.s32 @!p2 $0x0  }
0x16: {  	s3 =	sld [smem:$0x3FDB];
	s0 =	simm.s32 @p2 $0x1  }
0x17: {  	s4 =	simm.s32 $0x1BF5;
	[smem:$0x3FB6] =	sst s0  }
0x18: {  	s0 =	sld [smem:$0x3F99];
	_ =	swait.ge [sflag:s4], $0x0  }
0x19: {  	s7 =	sld [smem:$0x3F9A]  }
0x1a: {  	s8 =	sadd.s32 $0xFFFFE003, lr  }
0x1b: {  	s9 =	sadd.s32 $0xFFFFFEF7, lr;
	s5 =	simm.s32 $0xFFFFFFFF;
	p2 =	slt.u32 s8, $0xFFFFF086  }
0x1c: {  	p1 =	slt.u32 s9, $0xF7A;
	s5 =	simm.s32 @!p2 $0x0  }
0x1d: {  	s5 =	simm.s32 @p1 $0x1;
	p0 =	seq.s32 s7, s2  }
0x1e: {  	s7 =	smul.u32 @!p0 $0xF7A, s2;
	p2 =	seq.s32 @!p0 s5, $0x0  }
0x1f: {  	s9 =	smul.u32 $0xF7A, s1;
	s8 =	simm.s32 @!p0 $0x1BF5;
	p2 =	por !p2, p0  }
0x20: {  	[sflag:s8] =	ssyncset.s32 @!p0 $0xFFFFF086;
	s6 =	sadd.s32 @!p0 s3, s7;
	s7 =	simm.s32 @!p0 $0x108  }
0x21: {  	s3 =	sadd.s32 s3, s9;
	s6 =	sadd.s32 @!p0 $0x88, s6;
	s7 =	simm.s32 @p2 $0x1082  }
0x22: {  	[simem:s7], [sflag:s8] =	dma.local @!p0 [hbm:s6], $0xF7A  }
0x23: {  	s9 =	sor.u32 $0xD0000000, s2;
	s6 =	simm.s32 $0x108;
	_ =	swait.ge @!p0 [sflag:s8], $0x0  }
0x24: {  	s3 =	sadd.s32 $0x88, s3;
	s6 =	simm.s32 @!p1 $0x1082;
	[sflag:s4] =	ssyncset.s32 $0xFFFFF086  }
0x25: {  	[simem:s6], [sflag:s4] =	dma.local [hbm:s3], $0xF7A  }
0x26: {  	[smem:$0x3F9A] =	sst s1;
	(tag) =	ssettag s2;
	_ =	strace s9  }
0x27: {  	s1 =	sld [smem:$0x3FAA]  }
0x28: {  	s2 =	sld [smem:$0x3FAB]  }
0x29: {  	s4 =	sld [smem:$0x3FAD]  }
0x2a: {  	p0 =	seq.s32 s5, $0x0;
	s5 =	sld [smem:$0x3FAE]  }
0x2b: {  	s6 =	sld [smem:$0x3FAF]  }
0x2c: {  	s7 =	sld [smem:$0x3FB0]  }
0x2d: {  	s3 =	simm.s32 $0x108;
	s8 =	sld [smem:$0x3FB1]  }
0x2e: {  	s3 =	simm.s32 @!p0 $0x1082;
	s9 =	sld [smem:$0x3FB2]  }
0x2f: {  	lr =	sadd.s32 s0, s3;
	s0 =	sld [smem:$0x3FA9]  }
0x30: {  	s3 =	sld [smem:$0x3FAC]  }
0x31: {  	[smem:$0x3FB5] =	sst s10  }
0x32: {  	s10 =	sld [smem:$0x3FB3];
	_ =	sdelay $0x3  }
0x33: {  	p0 =	seq.s32 s10, $0x1;
	s10 =	sld [smem:$0x3FB5];
	_ =	sdelay $0x3  }
0x34: {  	[smem:$0x3FB5] =	sst s10  }
0x35: {  	s10 =	sld [smem:$0x3FB4];
	_ =	sdelay $0x3  }
0x36: {  	p1 =	seq.s32 s10, $0x1;
	s10 =	sld [smem:$0x3FB5];
	_ =	sdelay $0x3  }
0x37: {  	[smem:$0x3FB5] =	sst s10  }
0x38: {  	s10 =	sld [smem:$0x3FB6]  }
0x39: {  	_ = 	snop;
	(pc) =	sbr.ind lr, $3  }
0x3a: {  	_ = 	snop  }
0x3b: {  	_ = 	snop  }
0x3c: {  	p2 =	seq.s32 s10, $0x1;
	s10 =	sld [smem:$0x3FB5]  }
0x3d: {  	_ =	shalt  }
0x3e: {  	_ =	shalt  }
0x3f: {  	_ =	shalt  }
0x40: {  	_ =	shalt  }
0x41: {  	_ =	shalt  }
0x42: {  	_ =	shalt  }
0x43: {  	_ =	shalt  }
0x44: {  	_ =	shalt  }
0x45: {  	_ =	shalt  }
0x46: {  	_ =	shalt  }
0x47: {  	_ =	shalt  }
0x48: {  	_ =	shalt  }
0x49: {  	_ =	shalt  }
0x4a: {  	_ =	shalt  }
0x4b: {  	_ =	shalt  }
0x4c: {  	_ =	shalt  }
0x4d: {  	_ =	shalt  }
0x4e: {  	_ =	shalt  }
0x4f: {  	_ =	shalt  }
0x50: {  	_ =	shalt  }
0x51: {  	_ =	shalt  }
0x52: {  	_ =	shalt  }
0x53: {  	_ =	shalt  }
0x54: {  	_ =	shalt  }
0x55: {  	_ =	shalt  }
0x56: {  	_ =	shalt  }
0x57: {  	_ =	shalt  }
0x58: {  	_ =	shalt  }
0x59: {  	_ =	shalt  }
0x5a: {  	_ =	shalt  }
0x5b: {  	_ =	shalt  }
0x5c: {  	_ =	shalt  }
0x5d: {  	_ =	shalt  }
0x5e: {  	_ =	shalt  }
0x5f: {  	_ =	shalt  }
0x60: {  	_ =	shalt  }
0x61: {  	_ =	shalt  }
0x62: {  	_ =	shalt  }
0x63: {  	_ =	shalt  }
0x64: {  	_ =	shalt  }
0x65: {  	_ =	shalt  }
0x66: {  	_ =	shalt  }
0x67: {  	_ =	shalt  }
0x68: {  	_ =	shalt  }
0x69: {  	_ =	shalt  }
0x6a: {  	_ =	shalt  }
0x6b: {  	_ =	shalt  }
0x6c: {  	_ =	shalt  }
0x6d: {  	_ =	shalt  }
0x6e: {  	_ =	shalt  }
0x6f: {  	_ =	shalt  }
0x70: {  	_ =	shalt  }
0x71: {  	_ =	shalt  }
0x72: {  	_ =	shalt  }
0x73: {  	_ =	shalt  }
0x74: {  	_ =	shalt  }
0x75: {  	_ =	shalt  }
0x76: {  	_ =	shalt  }
0x77: {  	_ =	shalt  }
0x78: {  	_ =	shalt  }
0x79: {  	_ =	shalt  }
0x7a: {  	_ =	shalt  }
0x7b: {  	_ =	shalt  }
0x7c: {  	_ =	shalt  }
0x7d: {  	_ =	shalt  }
0x7e: {  	_ =	shalt  }
0x7f: {  	_ =	shalt  }
0x80: {  	_ =	shalt  }
0x81: {  	_ =	shalt  }
0x82: {  	_ =	shalt  }
0x83: {  	_ =	shalt  }
0x84: {  	_ =	shalt  }
0x85: {  	_ =	shalt  }
0x86: {  	_ =	shalt  }
0x87: {  	_ =	shalt  }
.Lfunc_end0:
.L_simem_size_0:
called_computation_lowered:
.L_overlay_start_0:
0x88: {  	s2 =	sld [smem:$0x3FD9]  }
0x89: {  	s3 =	sld [smem:$0x3FFE];
	_ =	sdelay $0x1  }
0x8a: {  	s1 =	srdreg.scid  }
0x8b: {  	s0 =	sand.u32 $0x1, s1  }
0x8c: {  	s16 =	sshll.u32 s0, $0xA;
	s2 =	sadd.s32 s3, s2  }
0x8d: {  	s2 =	sadd.s32 s2, s16  }
0x8e: {  	[smem:$0x3FC1] =	sst s2  }
0x8f: {  	_ = 	snop  }
0x90: {  	(tm) =	ssettm $0x1  }
0x91: {  	s17 =	sld [smem:$0x3FFB];
	_ =	sdelay $0x3  }
0x92: {  	_ =	strace s17  }
0x93: {  	s2 =	sld [smem:$0x3FFC];
	_ =	sdelay $0x3  }
0x94: {  	_ =	strace s2  }
0x95: {  	s2 =	sld [smem:$0x3FFD];
	_ =	sdelay $0x3  }
0x96: {  	_ =	strace s2  }
0x97: {  	_ =	strace $0x8FFFFFFF  }
0x98: {  	s18 =	sld [smem:$0x3FDB];
	_ =	sdelay $0x1  }
0x99: {  	s19 =	simm.s32 $_scs_section_size  }
0x9a: {  	s4 =	simm.s32 $_size__tile_overlayer_lowered;
	s5 =	simm.s32 $_tile_overlayer_lowered  }
0x9b: {  	s22 =	simm.s32 $0x1BFF;
	s21 =	sshll.u32 s5, $0x1;
	s2 =	sadd.s32 s19, s18  }
0x9c: {  	s6 =	simm.s32 $0x0;
	s20 =	sshll.u32 s4, $0x1;
	s4 =	sadd.s32 s21, s2  }
0x9d: {  	[timem:s6], [sflag:s22] =	dma.local [hbm:s4], s20  }
0x9e: {  	_ =	swait.ge [sflag:s22], s20  }
0x9f: {  	s3 =	ssub.s32 $0x0, s20;
	[sflag:s22] =	ssyncset.done $0x0  }
0xa0: {  	[sflag:s22] =	ssyncadd.s32 s3;
	_ =	sdelay $0x1  }
0xa1: {  	s23 =	simm.s32 $0x1B8B  }
0xa2: {  	_ =	swait.ge [sflag:s23], $0x1  }
0xa3: {  	[sflag:s23] =	ssyncset.done $0x0  }
0xa4: {  	s25 =	simm.s32 $0x1B8E;
	s24 =	sld [smem:$0x3FFE];
	[sflag:s23] =	ssyncadd.s32 $0xFFFFFFFF  }
0xa5: {  	s26 =	simm.s32 $execute0_lowered;
	[smem:$0x3FD2] =	sst s25  }
0xa6: {  	s4 =	sshll.u32 s26, $0x1;
	_ =	strace $0x80000046;
	[dreg:$0x1] =	wrdreg $0xFFFFFFFF  }
0xa7: {  	s28 =	simm.s32 $_size_execute0_lowered;
	s2 =	sadd.s32 s2, s4;
	[dreg:$0x0] =	wrdreg $0x0  }
0xa8: {  	s4 =	sshll.u32 s28, $0x1;
	[dreg:$0x2] =	wrdreg s2  }
0xa9: {  	[dreg:$0x3] =	wrdreg s4  }
0xaa: {  	[dreg:$0x4] =	wrdreg $0xC0  }
0xab: {  	_ =	task [dreg:s6], $0x5FFFF  }
0xac: {  	[dreg:$0x1] =	wrdreg $0xFFFFFFFF  }
0xad: {  	[dreg:$0x0] =	wrdreg $0x60  }
0xae: {  	[dreg:$0x2] =	wrdreg s24  }
0xaf: {  	[dreg:$0x3] =	wrdreg $0x9  }
0xb0: {  	_ =	task.clear_ibuf [dreg:s6], $0x4FFFF;
	_ =	strace $0x90000046  }
0xb1: {  	s29 =	simm.s32 $0x9;
	_ =	strace $0x80000048  }
0xb2: {  	_ =	swait.ge [sflag:s29], $0x1  }
0xb3: {  	[sflag:s29] =	ssyncadd.s32 $0xFFFFFFFF  }
0xb4: {  	_ =	strace $0x90000048  }
0xb5: {  	_ =	sfence  }
0xb6: {  	s30 =	sld [smem:$0x0];
	_ =	sdelay $0x2  }
0xb7: {  	s31 =	sshll.u32 s1, $0xD;
	s1 =	sshrl.u32 s1, $0x2  }
0xb8: {  	s3 =	sand.u32 $0x4000, s31;
	s1 =	sadd.s32 s1, s30  }
0xb9: {  	s0 =	sor.u32 s3, s0;
	s1 =	sshll.u32 s1, $0x11  }
0xba: {  	s0 =	sor.u32 s1, s0  }
0xbb: {  	s0 =	sadd.s32 $0x8F2B, s0  }
0xbc: {  	[sflag:s0] =	ssyncadd.remote.s32 $0x1  }
0xbd: {  	_ =	sfence.sel $0xFFFF  }
0xbe: {  	[dreg:$0x0] =	wrdreg $0xFFFFFFFF;
	(pc) =	sbr.abs _section_cstart, $3  }
0xbf: {  	[dreg:$0x1] =	wrdreg $0xFFFFFFFF  }
0xc0: {  	_ =	task.clear_ibuf [dreg:s6], $0x2FFFF;
	_ =	strace $0x9FFFFFFF  }
0xc1: {  	(tm) =	ssettm $0x7FFFFFFF  }
tec
execute0_lowered:
.L_overlay_start_1:
0x0: {  	(tag) =	ssettag $0x1  }
0x1: {  	s0 =	srdreg.scid  }
0x2: {  	s2 =	stileid.u32;
	s1 =	rddreg [dreg:$0x0];
	s8 =	simm.s32 $0x5  }
0x3: {  	s9 =	simm.s32 $0x4000;
	s10 =	simm.s32 $0x80;
	s11 =	simm.s32 $0x8000  }
0x4: {  	s12 =	simm.s32 $0x48;
	s13 =	simm.s32 $0xA000;
	s14 =	simm.s32 $0xB200  }
0x5: {  	s16 =	simm.s32 $0xD200;
	s18 =	simm.s32 $0xE400;
	s19 =	simm.s32 $0x4100  }
0x6: {  	s20 =	simm.s32 $0x10400;
	s21 =	simm.s32 $0x11600;
	s22 =	simm.s32 $0x13600  }
0x7: {  	s23 =	simm.s32 $0x1;
	s24 =	simm.s32 $0x2;
	s25 =	simm.s32 $0x3  }
0x8: {  	s26 =	simm.s32 $0x4;
	s28 =	simm.s32 $0x14800;
	s29 =	simm.s32 $0x0  }
0x9: {  	s0 =	sand.u32 $0x1, s0;
	s3 =	sshll.u32 s2, $0x1;
	s2 =	simm.s32 $0x0  }
0xa: {  	s4 =	sor.u32 s0, s3;
	[smem:$0x7FF] =	sst s2;
	s0 =	ssub.s32 $0x2, s0  }
0xb: {  	s3 =	sshll.u32 s4, $0xB;
	_ =	strace $0x80000047;
	s4 =	sshll.u32 s4, $0xA  }
0xc: {  	s6 =	sshrl.u32 s0, $0x1;
	s5 =	sadd.s32 s3, s1;
	s3 =	sadd.s32 $0x188000, s1  }
0xd: {  	s1 =	sadd.s32 s4, s1;
	s0 =	ssub.s32 s0, s6;
	s4 =	sadd.s32 $0x1600, s5  }
0xe: {  	s5 =	sadd.s32 $0x11600, s5;
	s6 =	sadd.s32 $0x21600, s1;
	s7 =	smax.u32 s0, $0x1  }
.LBB2_1:
0xf: {  	[tilespmem:s2], [sflag:$0x5] =	stream.linear.gather [hbm4b:s4+s2], $0x4000, $0x38;
	[tilespmem:$0x16800] =	vst v63  }
0x10: {  	_ =	swait.ge [sflag:s8], $0x4000  }
0x11: {  	[sflag:s8] =	ssyncset.done $0x0  }
0x12: {  	[sflag:s8] =	ssyncadd.s32 $0xFFFFC000  }
0x13: {  	[tilespmem:s9], [sflag:$0x5] =	stream.linear.gather [hbm4b:s5+s2], $0x4000, $0x38;
	[tilespmem:$0x16800] =	vst v63  }
0x14: {  	_ =	swait.ge [sflag:s8], $0x4000  }
0x15: {  	[sflag:s8] =	ssyncset.done $0x0  }
0x16: {  	[sflag:s8] =	ssyncadd.s32 $0xFFFFC000  }
0x17: {  	[tilespmem:s11], [sflag:$0x1] =	stream.indirect.gather [hbm4b:s3+s10], $0x40, s2, s10, $0xb8;
	[tilespmem:$0x16800] =	vst v63  }
0x18: {  	_ = 	snop  }
0x19: {  	[tilespmem:s13], [sflag:$0x1] =	stream.indirect.gather [hbm4b:s3+s12], $0x40, s9, s12, $0xb8;
	[tilespmem:$0x16800] =	vst v63  }
0x1a: {  	_ = 	snop  }
0x1b: {  	[tilespmem:s14], [sflag:$0x2] =	stream.indirect.gather [hbm4b:s3+s10], $0x40, s10, s10, $0xb8;
	[tilespmem:$0x16800] =	vst v63  }
0x1c: {  	s0 =	simm.s32 $0x4080  }
0x1d: {  	[tilespmem:s16], [sflag:$0x2] =	stream.indirect.gather [hbm4b:s3+s12], $0x40, s0, s12, $0xb8;
	[tilespmem:$0x16800] =	vst v63  }
0x1e: {  	s31 =	simm.s32 $0x100  }
0x1f: {  	[tilespmem:s18], [sflag:$0x3] =	stream.indirect.gather [hbm4b:s3+s10], $0x40, s31, s10, $0xb8;
	[tilespmem:$0x16800] =	vst v63  }
0x20: {  	s30 =	simm.s32 $0x0  }
0x21: {  	[tilespmem:s20], [sflag:$0x3] =	stream.indirect.gather [hbm4b:s3+s12], $0x40, s19, s12, $0xb8;
	[tilespmem:$0x16800] =	vst v63  }
.LBB2_2:
0x22: {  	s31 =	sshllo.u32 s30, $0x2  }
0x23: {  	s0 =	sshll.u32 s31, $0x7  }
0x24: {  	[tilespmem:s21], [sflag:$0x4] =	stream.indirect.gather [hbm4b:s3+s10], $0x40, s0, s10, $0xb8;
	[tilespmem:$0x16800] =	vst v63  }
0x25: {  	s0 =	sadd.s32 $0x4000, s0  }
0x26: {  	[tilespmem:s22], [sflag:$0x4] =	stream.indirect.gather [hbm4b:s3+s12], $0x40, s0, s12, $0xb8;
	[tilespmem:$0x16800] =	vst v63  }
0x27: {  	_ =	swait.ge [sflag:s23], $0x2000  }
0x28: {  	[sflag:s23] =	ssyncset.done $0x0  }
0x29: {  	[sflag:s23] =	ssyncadd.s32 $0xFFFFE000  }
0x2a: {  	_ =	swait.ge [sflag:s23], $0x1200  }
0x2b: {  	[sflag:s23] =	ssyncset.done $0x0  }
0x2c: {  	s0 =	simm.s32 $0x0;
	[sflag:s23] =	ssyncadd.s32 $0xFFFFEE00  }
0x2d: {  	v3 =	vld [tilespmem:s0+$0x8180]  }
0x2e: {  	v4 =	vld [tilespmem:s0+$0x8190]  }
0x2f: {  	v5 =	vld [tilespmem:s0+$0x81A0]  }
0x30: {  	v6 =	vld [tilespmem:s0+$0x81B0]  }
0x31: {  	v0 =	vld [tilespmem:s0+$0x81C0]  }
0x32: {  	v1 =	vld [tilespmem:s0+$0x81D0]  }
0x33: {  	v13 =	vld [tilespmem:s0+$0x8100]  }
0x34: {  	v15 =	vld [tilespmem:s0+$0x8110]  }
0x35: {  	v12 =	vld [tilespmem:s0+$0x8120]  }
0x36: {  	v14 =	vld [tilespmem:s0+$0x8130]  }
0x37: {  	v2 =	vld [tilespmem:s0+$0x8140]  }
0x38: {  	v9 =	vld [tilespmem:s0+$0x8080]  }
0x39: {  	v10 =	vld [tilespmem:s0+$0x8090]  }
0x3a: {  	v11 =	vld [tilespmem:s0+$0x8000]  }
0x3b: {  	v17 =	vld [tilespmem:s0+$0x8010]  }
0x3c: {  	v18 =	vld [tilespmem:s0+$0x8020]  }
0x3d: {  	v19 =	vld [tilespmem:s0+$0x8030]  }
0x3e: {  	v20 =	vld [tilespmem:s0+$0x80A0]  }
0x3f: {  	v24 =	vld [tilespmem:s0+$0x80B0]  }
0x40: {  	v8 =	vimm.f32 $0.0e+00;
	v7 =	vld [tilespmem:s0+$0x8150]  }
0x41: {  	v16 =	vld [tilespmem:s0+$0x80C0];
	v11 =	vadd.f32 v11, v8;
	v22 =	vadd.f32 v17, v8  }
0x42: {  	v17 =	vld [tilespmem:s0+$0x80D0];
	v23 =	vadd.f32 v18, v8;
	v25 =	vadd.f32 v19, v8  }
0x43: {  	v18 =	vld [tilespmem:s0+$0x8040];
	v21 =	vadd.f32 v9, v11;
	v22 =	vadd.f32 v10, v22  }
0x44: {  	v19 =	vld [tilespmem:s0+$0x8050];
	v23 =	vadd.f32 v20, v23;
	v24 =	vadd.f32 v24, v25  }
0x45: {  	s1 =	sshll.u32 s30, $0x2;
	s15 =	simm.s32 $0x800;
	v20 =	vld [tilespmem:s0+$0x8060];
	v11 =	vimm.f32 $0.0e+00;
	v10 =	vimm.f32 $0.0e+00;
	v9 =	vimm.f32 $0.0e+00  }
.LBB2_3:
0x46: {  	p0 =	sne.s32 s15, $0xC000;
	v25 =	vld [tilespmem:s0+$0x8070];
	v13 =	vadd.f32 v13, v21;
	v15 =	vadd.f32 v15, v22  }
0x47: {  	v21 =	vld [tilespmem:s0+$0x80E0];
	v12 =	vadd.f32 v12, v23;
	v14 =	vadd.f32 v14, v24  }
0x48: {  	v22 =	vld [tilespmem:s0+$0x80F0];
	v23 =	vadd.f32 v3, v13;
	v24 =	vadd.f32 v4, v15  }
0x49: {  	v13 =	vld [tilespmem:s0+$0x8160];
	v26 =	vadd.f32 v5, v12;
	v27 =	vadd.f32 v6, v14  }
0x4a: {  	v3 =	vadd.f32 v18, v8;
	v4 =	vadd.f32 v19, v11;
	v6 =	vld [tilespmem:s0+$0x8170]  }
0x4b: {  	v5 =	vadd.f32 v20, v10;
	v8 =	vadd.f32 v25, v9;
	v9 =	vld [tilespmem:s0+$0x81E0]  }
0x4c: {  	v10 =	vadd.f32 v16, v3;
	v11 =	vadd.f32 v17, v4;
	v12 =	vld [tilespmem:s0+$0x81F0];
	s0 =	sshra.s32 s15, $0x2  }
0x4d: {  	v14 =	vadd.f32 v21, v5;
	v3 =	vld [tilespmem:s0+$0x8180];
	v8 =	vadd.f32 v22, v8  }
0x4e: {  	v2 =	vadd.f32 v2, v10;
	v7 =	vadd.f32 v7, v11;
	v4 =	vld [tilespmem:s0+$0x8190]  }
0x4f: {  	v10 =	vadd.f32 v13, v14;
	v5 =	vld [tilespmem:s0+$0x81A0];
	v13 =	vadd.f32 v6, v8  }
0x50: {  	v8 =	vadd.f32 v0, v2;
	v11 =	vadd.f32 v1, v7;
	v6 =	vld [tilespmem:s0+$0x81B0]  }
0x51: {  	v10 =	vadd.f32 v9, v10;
	v0 =	vld [tilespmem:s0+$0x81C0];
	v9 =	vadd.f32 v12, v13  }
0x52: {  	v1 =	vld [tilespmem:s0+$0x81D0]  }
0x53: {  	v13 =	vld [tilespmem:s0+$0x8100]  }
0x54: {  	v15 =	vld [tilespmem:s0+$0x8110]  }
0x55: {  	v12 =	vld [tilespmem:s0+$0x8120]  }
0x56: {  	v14 =	vld [tilespmem:s0+$0x8130]  }
0x57: {  	v2 =	vld [tilespmem:s0+$0x8140]  }
0x58: {  	v7 =	vld [tilespmem:s0+$0x8150]  }
0x59: {  	v20 =	vld [tilespmem:s0+$0x8080]  }
0x5a: {  	v22 =	vld [tilespmem:s0+$0x8090]  }
0x5b: {  	v17 =	vld [tilespmem:s0+$0x8000]  }
0x5c: {  	v18 =	vld [tilespmem:s0+$0x8010]  }
0x5d: {  	v19 =	vld [tilespmem:s0+$0x8020]  }
0x5e: {  	v21 =	vld [tilespmem:s0+$0x8030]  }
0x5f: {  	v25 =	vld [tilespmem:s0+$0x80A0]  }
0x60: {  	v28 =	vld [tilespmem:s0+$0x80B0]  }
.Ltmp0:
0x61: {  	v16 =	vld [tilespmem:s0+$0x80C0];
	(pc) =	sbr.rel @p0 .LBB2_3-.Ltmp0, $4  }
0x62: {  	v23 =	vadd.f32 v17, v23;
	v24 =	vadd.f32 v18, v24;
	v17 =	vld [tilespmem:s0+$0x80D0]  }
0x63: {  	v26 =	vadd.f32 v19, v26;
	v27 =	vadd.f32 v21, v27;
	v18 =	vld [tilespmem:s0+$0x8040]  }
0x64: {  	v21 =	vadd.f32 v20, v23;
	v22 =	vadd.f32 v22, v24;
	v19 =	vld [tilespmem:s0+$0x8050]  }
0x65: {  	s15 =	sadd.s32 $0x800, s15;
	v23 =	vadd.f32 v25, v26;
	v20 =	vld [tilespmem:s0+$0x8060];
	v24 =	vadd.f32 v28, v27  }
0x66: {  	v13 =	vadd.f32 v13, v21;
	v15 =	vadd.f32 v15, v22  }
0x67: {  	v21 =	vld [tilespmem:s0+$0x8070];
	v12 =	vadd.f32 v12, v23;
	v14 =	vadd.f32 v14, v24  }
0x68: {  	v22 =	vld [tilespmem:s0+$0x80E0];
	v3 =	vadd.f32 v3, v13;
	v4 =	vadd.f32 v4, v15  }
0x69: {  	v13 =	vld [tilespmem:s0+$0x80F0];
	v8 =	vadd.f32 v18, v8;
	v5 =	vadd.f32 v5, v12  }
0x6a: {  	v12 =	vld [tilespmem:s0+$0x8160];
	v6 =	vadd.f32 v6, v14;
	v11 =	vadd.f32 v19, v11  }
0x6b: {  	v14 =	vld [tilespmem:s0+$0x8170];
	v10 =	vadd.f32 v20, v10;
	v8 =	vadd.f32 v16, v8  }
0x6c: {  	v15 =	vld [tilespmem:s0+$0x81E0];
	v9 =	vadd.f32 v21, v9;
	v11 =	vadd.f32 v17, v11  }
0x6d: {  	v16 =	vld [tilespmem:s0+$0x81F0];
	v10 =	vadd.f32 v22, v10;
	v2 =	vadd.f32 v2, v8  }
0x6e: {  	v8 =	vadd.f32 v13, v9;
	v7 =	vadd.f32 v7, v11  }
0x6f: {  	v9 =	vadd.f32 v12, v10;
	v0 =	vadd.f32 v0, v2  }
0x70: {  	v2 =	vadd.f32 v14, v8;
	v1 =	vadd.f32 v1, v7  }
0x71: {  	s17 =	sshll.u32 s30, $0x8;
	v7 =	vadd.f32 v15, v9;
	v0 =	vadd.f32 v0, v3  }
0x72: {  	s0 =	sand.u32 $0x3FFFFF00, s17;
	v2 =	vadd.f32 v16, v2;
	v1 =	vadd.f32 v1, v4  }
0x73: {  	[tilespmem:s0+$0x14800] =	vst v0;
	v0 =	vadd.f32 v7, v5  }
0x74: {  	s15 =	smin.u32 s1, $0x7B;
	[tilespmem:s0+$0x14810] =	vst v1;
	v1 =	vadd.f32 v2, v6  }
0x75: {  	s15 =	sshll.u32 s15, $0x7;
	[tilespmem:s0+$0x14820] =	vst v0  }
0x76: {  	s17 =	sadd.s32 $0x200, s15;
	[tilespmem:s0+$0x14830] =	vst v1  }
0x77: {  	[tilespmem:s11], [sflag:$0x1] =	stream.indirect.gather [hbm4b:s3+s10], $0x40, s17, s10, $0xb8;
	[tilespmem:$0x16800] =	vst v63  }
0x78: {  	s15 =	sadd.s32 $0x4200, s15  }
0x79: {  	[tilespmem:s13], [sflag:$0x1] =	stream.indirect.gather [hbm4b:s3+s12], $0x40, s15, s12, $0xb8;
	[tilespmem:$0x16800] =	vst v63  }
0x7a: {  	_ =	swait.ge [sflag:s24], $0x2000  }
0x7b: {  	[sflag:s24] =	ssyncset.done $0x0  }
0x7c: {  	[sflag:s24] =	ssyncadd.s32 $0xFFFFE000  }
0x7d: {  	_ =	swait.ge [sflag:s24], $0x1200  }
0x7e: {  	[sflag:s24] =	ssyncset.done $0x0  }
0x7f: {  	s15 =	simm.s32 $0x0;
	[sflag:s24] =	ssyncadd.s32 $0xFFFFEE00  }
0x80: {  	v3 =	vld [tilespmem:s15+$0xB380]  }
0x81: {  	v4 =	vld [tilespmem:s15+$0xB390]  }
0x82: {  	v5 =	vld [tilespmem:s15+$0xB3A0]  }
0x83: {  	v6 =	vld [tilespmem:s15+$0xB3B0]  }
0x84: {  	v0 =	vld [tilespmem:s15+$0xB3C0]  }
0x85: {  	v1 =	vld [tilespmem:s15+$0xB3D0]  }
0x86: {  	v13 =	vld [tilespmem:s15+$0xB300]  }
0x87: {  	v15 =	vld [tilespmem:s15+$0xB310]  }
0x88: {  	v12 =	vld [tilespmem:s15+$0xB320]  }
0x89: {  	v14 =	vld [tilespmem:s15+$0xB330]  }
0x8a: {  	v2 =	vld [tilespmem:s15+$0xB340]  }
0x8b: {  	v9 =	vld [tilespmem:s15+$0xB280]  }
0x8c: {  	v10 =	vld [tilespmem:s15+$0xB290]  }
0x8d: {  	v11 =	vld [tilespmem:s15+$0xB200]  }
0x8e: {  	v17 =	vld [tilespmem:s15+$0xB210]  }
0x8f: {  	v18 =	vld [tilespmem:s15+$0xB220]  }
0x90: {  	v19 =	vld [tilespmem:s15+$0xB230]  }
0x91: {  	v20 =	vld [tilespmem:s15+$0xB2A0]  }
0x92: {  	v24 =	vld [tilespmem:s15+$0xB2B0]  }
0x93: {  	v8 =	vimm.f32 $0.0e+00;
	v7 =	vld [tilespmem:s15+$0xB350]  }
0x94: {  	v16 =	vld [tilespmem:s15+$0xB2C0];
	v11 =	vadd.f32 v11, v8;
	v22 =	vadd.f32 v17, v8  }
0x95: {  	v17 =	vld [tilespmem:s15+$0xB2D0];
	v23 =	vadd.f32 v18, v8;
	v25 =	vadd.f32 v19, v8  }
0x96: {  	v18 =	vld [tilespmem:s15+$0xB240];
	v21 =	vadd.f32 v9, v11;
	v22 =	vadd.f32 v10, v22  }
0x97: {  	v19 =	vld [tilespmem:s15+$0xB250];
	v23 =	vadd.f32 v20, v23;
	v24 =	vadd.f32 v24, v25  }
0x98: {  	s17 =	simm.s32 $0x800;
	v20 =	vld [tilespmem:s15+$0xB260];
	v11 =	vimm.f32 $0.0e+00;
	v10 =	vimm.f32 $0.0e+00;
	v9 =	vimm.f32 $0.0e+00  }
.LBB2_5:
0x99: {  	p0 =	sne.s32 s17, $0xC000;
	v25 =	vld [tilespmem:s15+$0xB270];
	v13 =	vadd.f32 v13, v21;
	v15 =	vadd.f32 v15, v22  }
0x9a: {  	v21 =	vld [tilespmem:s15+$0xB2E0];
	v12 =	vadd.f32 v12, v23;
	v14 =	vadd.f32 v14, v24  }
0x9b: {  	v22 =	vld [tilespmem:s15+$0xB2F0];
	v23 =	vadd.f32 v3, v13;
	v24 =	vadd.f32 v4, v15  }
0x9c: {  	v13 =	vld [tilespmem:s15+$0xB360];
	v26 =	vadd.f32 v5, v12;
	v27 =	vadd.f32 v6, v14  }
0x9d: {  	v3 =	vadd.f32 v18, v8;
	v4 =	vadd.f32 v19, v11;
	v6 =	vld [tilespmem:s15+$0xB370]  }
0x9e: {  	v5 =	vadd.f32 v20, v10;
	v8 =	vadd.f32 v25, v9;
	v9 =	vld [tilespmem:s15+$0xB3E0]  }
0x9f: {  	v10 =	vadd.f32 v16, v3;
	v11 =	vadd.f32 v17, v4;
	v12 =	vld [tilespmem:s15+$0xB3F0];
	s15 =	sshra.s32 s17, $0x2  }
0xa0: {  	v14 =	vadd.f32 v21, v5;
	v3 =	vld [tilespmem:s15+$0xB380];
	v8 =	vadd.f32 v22, v8  }
0xa1: {  	v2 =	vadd.f32 v2, v10;
	v7 =	vadd.f32 v7, v11;
	v4 =	vld [tilespmem:s15+$0xB390]  }
0xa2: {  	v10 =	vadd.f32 v13, v14;
	v5 =	vld [tilespmem:s15+$0xB3A0];
	v13 =	vadd.f32 v6, v8  }
0xa3: {  	v8 =	vadd.f32 v0, v2;
	v11 =	vadd.f32 v1, v7;
	v6 =	vld [tilespmem:s15+$0xB3B0]  }
0xa4: {  	v10 =	vadd.f32 v9, v10;
	v0 =	vld [tilespmem:s15+$0xB3C0];
	v9 =	vadd.f32 v12, v13  }
0xa5: {  	v1 =	vld [tilespmem:s15+$0xB3D0]  }
0xa6: {  	v13 =	vld [tilespmem:s15+$0xB300]  }
0xa7: {  	v15 =	vld [tilespmem:s15+$0xB310]  }
0xa8: {  	v12 =	vld [tilespmem:s15+$0xB320]  }
0xa9: {  	v14 =	vld [tilespmem:s15+$0xB330]  }
0xaa: {  	v2 =	vld [tilespmem:s15+$0xB340]  }
0xab: {  	v7 =	vld [tilespmem:s15+$0xB350]  }
0xac: {  	v20 =	vld [tilespmem:s15+$0xB280]  }
0xad: {  	v22 =	vld [tilespmem:s15+$0xB290]  }
0xae: {  	v17 =	vld [tilespmem:s15+$0xB200]  }
0xaf: {  	v18 =	vld [tilespmem:s15+$0xB210]  }
0xb0: {  	v19 =	vld [tilespmem:s15+$0xB220]  }
0xb1: {  	v21 =	vld [tilespmem:s15+$0xB230]  }
0xb2: {  	v25 =	vld [tilespmem:s15+$0xB2A0]  }
0xb3: {  	v28 =	vld [tilespmem:s15+$0xB2B0]  }
.Ltmp1:
0xb4: {  	v16 =	vld [tilespmem:s15+$0xB2C0];
	(pc) =	sbr.rel @p0 .LBB2_5-.Ltmp1, $4  }
0xb5: {  	v23 =	vadd.f32 v17, v23;
	v24 =	vadd.f32 v18, v24;
	v17 =	vld [tilespmem:s15+$0xB2D0]  }
0xb6: {  	v26 =	vadd.f32 v19, v26;
	v27 =	vadd.f32 v21, v27;
	v18 =	vld [tilespmem:s15+$0xB240]  }
0xb7: {  	v21 =	vadd.f32 v20, v23;
	v22 =	vadd.f32 v22, v24;
	v19 =	vld [tilespmem:s15+$0xB250]  }
0xb8: {  	s17 =	sadd.s32 $0x800, s17;
	v23 =	vadd.f32 v25, v26;
	v20 =	vld [tilespmem:s15+$0xB260];
	v24 =	vadd.f32 v28, v27  }
0xb9: {  	v13 =	vadd.f32 v13, v21;
	v15 =	vadd.f32 v15, v22  }
0xba: {  	v21 =	vld [tilespmem:s15+$0xB270];
	v12 =	vadd.f32 v12, v23;
	v14 =	vadd.f32 v14, v24  }
0xbb: {  	v22 =	vld [tilespmem:s15+$0xB2E0];
	v3 =	vadd.f32 v3, v13;
	v4 =	vadd.f32 v4, v15  }
0xbc: {  	v13 =	vld [tilespmem:s15+$0xB2F0];
	v8 =	vadd.f32 v18, v8;
	v5 =	vadd.f32 v5, v12  }
0xbd: {  	v12 =	vld [tilespmem:s15+$0xB360];
	v6 =	vadd.f32 v6, v14;
	v11 =	vadd.f32 v19, v11  }
0xbe: {  	v14 =	vld [tilespmem:s15+$0xB370];
	v10 =	vadd.f32 v20, v10;
	v8 =	vadd.f32 v16, v8  }
0xbf: {  	v15 =	vld [tilespmem:s15+$0xB3E0];
	v9 =	vadd.f32 v21, v9;
	v11 =	vadd.f32 v17, v11  }
0xc0: {  	v16 =	vld [tilespmem:s15+$0xB3F0];
	v10 =	vadd.f32 v22, v10;
	v2 =	vadd.f32 v2, v8  }
0xc1: {  	v8 =	vadd.f32 v13, v9;
	v7 =	vadd.f32 v7, v11  }
0xc2: {  	v9 =	vadd.f32 v12, v10;
	v0 =	vadd.f32 v0, v2  }
0xc3: {  	v2 =	vadd.f32 v14, v8;
	v1 =	vadd.f32 v1, v7  }
0xc4: {  	v7 =	vadd.f32 v15, v9;
	v0 =	vadd.f32 v0, v3  }
0xc5: {  	v2 =	vadd.f32 v16, v2;
	v1 =	vadd.f32 v1, v4  }
0xc6: {  	[tilespmem:s0+$0x14840] =	vst v0;
	v0 =	vadd.f32 v7, v5  }
0xc7: {  	s17 =	smin.u32 s1, $0x7A;
	[tilespmem:s0+$0x14850] =	vst v1;
	v1 =	vadd.f32 v2, v6  }
0xc8: {  	s15 =	sshll.u32 s17, $0x7;
	[tilespmem:s0+$0x14860] =	vst v0  }
0xc9: {  	s17 =	sadd.s32 $0x280, s15;
	[tilespmem:s0+$0x14870] =	vst v1  }
0xca: {  	[tilespmem:s14], [sflag:$0x2] =	stream.indirect.gather [hbm4b:s3+s10], $0x40, s17, s10, $0xb8;
	[tilespmem:$0x16800] =	vst v63  }
0xcb: {  	s15 =	sadd.s32 $0x4280, s15  }
0xcc: {  	[tilespmem:s16], [sflag:$0x2] =	stream.indirect.gather [hbm4b:s3+s12], $0x40, s15, s12, $0xb8;
	[tilespmem:$0x16800] =	vst v63  }
0xcd: {  	_ =	swait.ge [sflag:s25], $0x2000  }
0xce: {  	[sflag:s25] =	ssyncset.done $0x0  }
0xcf: {  	[sflag:s25] =	ssyncadd.s32 $0xFFFFE000  }
0xd0: {  	_ =	swait.ge [sflag:s25], $0x1200  }
0xd1: {  	[sflag:s25] =	ssyncset.done $0x0  }
0xd2: {  	s15 =	simm.s32 $0x0;
	[sflag:s25] =	ssyncadd.s32 $0xFFFFEE00  }
0xd3: {  	v3 =	vld [tilespmem:s15+$0xE580]  }
0xd4: {  	v4 =	vld [tilespmem:s15+$0xE590]  }
0xd5: {  	v5 =	vld [tilespmem:s15+$0xE5A0]  }
0xd6: {  	v6 =	vld [tilespmem:s15+$0xE5B0]  }
0xd7: {  	v0 =	vld [tilespmem:s15+$0xE5C0]  }
0xd8: {  	v1 =	vld [tilespmem:s15+$0xE5D0]  }
0xd9: {  	v13 =	vld [tilespmem:s15+$0xE500]  }
0xda: {  	v15 =	vld [tilespmem:s15+$0xE510]  }
0xdb: {  	v12 =	vld [tilespmem:s15+$0xE520]  }
0xdc: {  	v14 =	vld [tilespmem:s15+$0xE530]  }
0xdd: {  	v2 =	vld [tilespmem:s15+$0xE540]  }
0xde: {  	v9 =	vld [tilespmem:s15+$0xE480]  }
0xdf: {  	v10 =	vld [tilespmem:s15+$0xE490]  }
0xe0: {  	v11 =	vld [tilespmem:s15+$0xE400]  }
0xe1: {  	v17 =	vld [tilespmem:s15+$0xE410]  }
0xe2: {  	v18 =	vld [tilespmem:s15+$0xE420]  }
0xe3: {  	v19 =	vld [tilespmem:s15+$0xE430]  }
0xe4: {  	v20 =	vld [tilespmem:s15+$0xE4A0]  }
0xe5: {  	v24 =	vld [tilespmem:s15+$0xE4B0]  }
0xe6: {  	v8 =	vimm.f32 $0.0e+00;
	v7 =	vld [tilespmem:s15+$0xE550]  }
0xe7: {  	v16 =	vld [tilespmem:s15+$0xE4C0];
	v11 =	vadd.f32 v11, v8;
	v22 =	vadd.f32 v17, v8  }
0xe8: {  	v17 =	vld [tilespmem:s15+$0xE4D0];
	v23 =	vadd.f32 v18, v8;
	v25 =	vadd.f32 v19, v8  }
0xe9: {  	v18 =	vld [tilespmem:s15+$0xE440];
	v21 =	vadd.f32 v9, v11;
	v22 =	vadd.f32 v10, v22  }
0xea: {  	v19 =	vld [tilespmem:s15+$0xE450];
	v23 =	vadd.f32 v20, v23;
	v24 =	vadd.f32 v24, v25  }
0xeb: {  	s17 =	simm.s32 $0x800;
	v20 =	vld [tilespmem:s15+$0xE460];
	v11 =	vimm.f32 $0.0e+00;
	v10 =	vimm.f32 $0.0e+00;
	v9 =	vimm.f32 $0.0e+00  }
.LBB2_7:
0xec: {  	p0 =	sne.s32 s17, $0xC000;
	v25 =	vld [tilespmem:s15+$0xE470];
	v13 =	vadd.f32 v13, v21;
	v15 =	vadd.f32 v15, v22  }
0xed: {  	v21 =	vld [tilespmem:s15+$0xE4E0];
	v12 =	vadd.f32 v12, v23;
	v14 =	vadd.f32 v14, v24  }
0xee: {  	v22 =	vld [tilespmem:s15+$0xE4F0];
	v23 =	vadd.f32 v3, v13;
	v24 =	vadd.f32 v4, v15  }
0xef: {  	v13 =	vld [tilespmem:s15+$0xE560];
	v26 =	vadd.f32 v5, v12;
	v27 =	vadd.f32 v6, v14  }
0xf0: {  	v3 =	vadd.f32 v18, v8;
	v4 =	vadd.f32 v19, v11;
	v6 =	vld [tilespmem:s15+$0xE570]  }
0xf1: {  	v5 =	vadd.f32 v20, v10;
	v8 =	vadd.f32 v25, v9;
	v9 =	vld [tilespmem:s15+$0xE5E0]  }
0xf2: {  	v10 =	vadd.f32 v16, v3;
	v11 =	vadd.f32 v17, v4;
	v12 =	vld [tilespmem:s15+$0xE5F0];
	s15 =	sshra.s32 s17, $0x2  }
0xf3: {  	v14 =	vadd.f32 v21, v5;
	v3 =	vld [tilespmem:s15+$0xE580];
	v8 =	vadd.f32 v22, v8  }
0xf4: {  	v2 =	vadd.f32 v2, v10;
	v7 =	vadd.f32 v7, v11;
	v4 =	vld [tilespmem:s15+$0xE590]  }
0xf5: {  	v10 =	vadd.f32 v13, v14;
	v5 =	vld [tilespmem:s15+$0xE5A0];
	v13 =	vadd.f32 v6, v8  }
0xf6: {  	v8 =	vadd.f32 v0, v2;
	v11 =	vadd.f32 v1, v7;
	v6 =	vld [tilespmem:s15+$0xE5B0]  }
0xf7: {  	v10 =	vadd.f32 v9, v10;
	v0 =	vld [tilespmem:s15+$0xE5C0];
	v9 =	vadd.f32 v12, v13  }
0xf8: {  	v1 =	vld [tilespmem:s15+$0xE5D0]  }
0xf9: {  	v13 =	vld [tilespmem:s15+$0xE500]  }
0xfa: {  	v15 =	vld [tilespmem:s15+$0xE510]  }
0xfb: {  	v12 =	vld [tilespmem:s15+$0xE520]  }
0xfc: {  	v14 =	vld [tilespmem:s15+$0xE530]  }
0xfd: {  	v2 =	vld [tilespmem:s15+$0xE540]  }
0xfe: {  	v7 =	vld [tilespmem:s15+$0xE550]  }
0xff: {  	v20 =	vld [tilespmem:s15+$0xE480]  }
0x100: {  	v22 =	vld [tilespmem:s15+$0xE490]  }
0x101: {  	v17 =	vld [tilespmem:s15+$0xE400]  }
0x102: {  	v18 =	vld [tilespmem:s15+$0xE410]  }
0x103: {  	v19 =	vld [tilespmem:s15+$0xE420]  }
0x104: {  	v21 =	vld [tilespmem:s15+$0xE430]  }
0x105: {  	v25 =	vld [tilespmem:s15+$0xE4A0]  }
0x106: {  	v28 =	vld [tilespmem:s15+$0xE4B0]  }
.Ltmp2:
0x107: {  	v16 =	vld [tilespmem:s15+$0xE4C0];
	(pc) =	sbr.rel @p0 .LBB2_7-.Ltmp2, $4  }
0x108: {  	v23 =	vadd.f32 v17, v23;
	v24 =	vadd.f32 v18, v24;
	v17 =	vld [tilespmem:s15+$0xE4D0]  }
0x109: {  	v26 =	vadd.f32 v19, v26;
	v27 =	vadd.f32 v21, v27;
	v18 =	vld [tilespmem:s15+$0xE440]  }
0x10a: {  	v21 =	vadd.f32 v20, v23;
	v22 =	vadd.f32 v22, v24;
	v19 =	vld [tilespmem:s15+$0xE450]  }
0x10b: {  	s17 =	sadd.s32 $0x800, s17;
	v23 =	vadd.f32 v25, v26;
	v20 =	vld [tilespmem:s15+$0xE460];
	v24 =	vadd.f32 v28, v27  }
0x10c: {  	v13 =	vadd.f32 v13, v21;
	v15 =	vadd.f32 v15, v22  }
0x10d: {  	v21 =	vld [tilespmem:s15+$0xE470];
	v12 =	vadd.f32 v12, v23;
	v14 =	vadd.f32 v14, v24  }
0x10e: {  	v22 =	vld [tilespmem:s15+$0xE4E0];
	v3 =	vadd.f32 v3, v13;
	v4 =	vadd.f32 v4, v15  }
0x10f: {  	v13 =	vld [tilespmem:s15+$0xE4F0];
	v8 =	vadd.f32 v18, v8;
	v5 =	vadd.f32 v5, v12  }
0x110: {  	v12 =	vld [tilespmem:s15+$0xE560];
	v6 =	vadd.f32 v6, v14;
	v11 =	vadd.f32 v19, v11  }
0x111: {  	v14 =	vld [tilespmem:s15+$0xE570];
	v10 =	vadd.f32 v20, v10;
	v8 =	vadd.f32 v16, v8  }
0x112: {  	v15 =	vld [tilespmem:s15+$0xE5E0];
	v9 =	vadd.f32 v21, v9;
	v11 =	vadd.f32 v17, v11  }
0x113: {  	v16 =	vld [tilespmem:s15+$0xE5F0];
	v10 =	vadd.f32 v22, v10;
	v2 =	vadd.f32 v2, v8  }
0x114: {  	v8 =	vadd.f32 v13, v9;
	v7 =	vadd.f32 v7, v11  }
0x115: {  	v9 =	vadd.f32 v12, v10;
	v0 =	vadd.f32 v0, v2  }
0x116: {  	v2 =	vadd.f32 v14, v8;
	v1 =	vadd.f32 v1, v7  }
0x117: {  	v7 =	vadd.f32 v15, v9;
	v0 =	vadd.f32 v0, v3  }
0x118: {  	v2 =	vadd.f32 v16, v2;
	v1 =	vadd.f32 v1, v4  }
0x119: {  	[tilespmem:s0+$0x14880] =	vst v0;
	v0 =	vadd.f32 v7, v5  }
0x11a: {  	s1 =	smin.u32 s1, $0x79;
	[tilespmem:s0+$0x14890] =	vst v1;
	v1 =	vadd.f32 v2, v6  }
0x11b: {  	s1 =	sshll.u32 s1, $0x7;
	[tilespmem:s0+$0x148A0] =	vst v0  }
0x11c: {  	s15 =	sadd.s32 $0x300, s1;
	[tilespmem:s0+$0x148B0] =	vst v1  }
0x11d: {  	[tilespmem:s18], [sflag:$0x3] =	stream.indirect.gather [hbm4b:s3+s10], $0x40, s15, s10, $0xb8;
	[tilespmem:$0x16800] =	vst v63  }
0x11e: {  	s17 =	sadd.s32 $0x4300, s1  }
0x11f: {  	[tilespmem:s20], [sflag:$0x3] =	stream.indirect.gather [hbm4b:s3+s12], $0x40, s17, s12, $0xb8;
	[tilespmem:$0x16800] =	vst v63  }
0x120: {  	_ =	swait.ge [sflag:s26], $0x2000  }
0x121: {  	[sflag:s26] =	ssyncset.done $0x0  }
0x122: {  	[sflag:s26] =	ssyncadd.s32 $0xFFFFE000  }
0x123: {  	_ =	swait.ge [sflag:s26], $0x1200  }
0x124: {  	[sflag:s26] =	ssyncset.done $0x0  }
0x125: {  	s0 =	simm.s32 $0x0;
	[sflag:s26] =	ssyncadd.s32 $0xFFFFEE00  }
0x126: {  	v3 =	vld [tilespmem:s0+$0x11780]  }
0x127: {  	v4 =	vld [tilespmem:s0+$0x11790]  }
0x128: {  	v5 =	vld [tilespmem:s0+$0x117A0]  }
0x129: {  	v6 =	vld [tilespmem:s0+$0x117B0]  }
0x12a: {  	v0 =	vld [tilespmem:s0+$0x117C0]  }
0x12b: {  	v1 =	vld [tilespmem:s0+$0x117D0]  }
0x12c: {  	v13 =	vld [tilespmem:s0+$0x11700]  }
0x12d: {  	v15 =	vld [tilespmem:s0+$0x11710]  }
0x12e: {  	v12 =	vld [tilespmem:s0+$0x11720]  }
0x12f: {  	v14 =	vld [tilespmem:s0+$0x11730]  }
0x130: {  	v2 =	vld [tilespmem:s0+$0x11740]  }
0x131: {  	v9 =	vld [tilespmem:s0+$0x11680]  }
0x132: {  	v10 =	vld [tilespmem:s0+$0x11690]  }
0x133: {  	v11 =	vld [tilespmem:s0+$0x11600]  }
0x134: {  	v17 =	vld [tilespmem:s0+$0x11610]  }
0x135: {  	v18 =	vld [tilespmem:s0+$0x11620]  }
0x136: {  	v19 =	vld [tilespmem:s0+$0x11630]  }
0x137: {  	v20 =	vld [tilespmem:s0+$0x116A0]  }
0x138: {  	v24 =	vld [tilespmem:s0+$0x116B0]  }
0x139: {  	v8 =	vimm.f32 $0.0e+00;
	v7 =	vld [tilespmem:s0+$0x11750]  }
0x13a: {  	v16 =	vld [tilespmem:s0+$0x116C0];
	v11 =	vadd.f32 v11, v8;
	v22 =	vadd.f32 v17, v8  }
0x13b: {  	v17 =	vld [tilespmem:s0+$0x116D0];
	v23 =	vadd.f32 v18, v8;
	v25 =	vadd.f32 v19, v8  }
0x13c: {  	v18 =	vld [tilespmem:s0+$0x11640];
	v21 =	vadd.f32 v9, v11;
	v22 =	vadd.f32 v10, v22  }
0x13d: {  	v19 =	vld [tilespmem:s0+$0x11650];
	v23 =	vadd.f32 v20, v23;
	v24 =	vadd.f32 v24, v25  }
0x13e: {  	s1 =	simm.s32 $0x800;
	v20 =	vld [tilespmem:s0+$0x11660];
	v11 =	vimm.f32 $0.0e+00;
	v10 =	vimm.f32 $0.0e+00;
	v9 =	vimm.f32 $0.0e+00  }
.LBB2_9:
0x13f: {  	p0 =	sne.s32 s1, $0xC000;
	v25 =	vld [tilespmem:s0+$0x11670];
	v13 =	vadd.f32 v13, v21;
	v15 =	vadd.f32 v15, v22  }
0x140: {  	v21 =	vld [tilespmem:s0+$0x116E0];
	v12 =	vadd.f32 v12, v23;
	v14 =	vadd.f32 v14, v24  }
0x141: {  	v22 =	vld [tilespmem:s0+$0x116F0];
	v23 =	vadd.f32 v3, v13;
	v24 =	vadd.f32 v4, v15  }
0x142: {  	v13 =	vld [tilespmem:s0+$0x11760];
	v26 =	vadd.f32 v5, v12;
	v27 =	vadd.f32 v6, v14  }
0x143: {  	v3 =	vadd.f32 v18, v8;
	v4 =	vadd.f32 v19, v11;
	v6 =	vld [tilespmem:s0+$0x11770]  }
0x144: {  	v5 =	vadd.f32 v20, v10;
	v8 =	vadd.f32 v25, v9;
	v9 =	vld [tilespmem:s0+$0x117E0]  }
0x145: {  	v10 =	vadd.f32 v16, v3;
	v11 =	vadd.f32 v17, v4;
	v12 =	vld [tilespmem:s0+$0x117F0];
	s0 =	sshra.s32 s1, $0x2  }
0x146: {  	v14 =	vadd.f32 v21, v5;
	v3 =	vld [tilespmem:s0+$0x11780];
	v8 =	vadd.f32 v22, v8  }
0x147: {  	v2 =	vadd.f32 v2, v10;
	v7 =	vadd.f32 v7, v11;
	v4 =	vld [tilespmem:s0+$0x11790]  }
0x148: {  	v10 =	vadd.f32 v13, v14;
	v5 =	vld [tilespmem:s0+$0x117A0];
	v13 =	vadd.f32 v6, v8  }
0x149: {  	v8 =	vadd.f32 v0, v2;
	v11 =	vadd.f32 v1, v7;
	v6 =	vld [tilespmem:s0+$0x117B0]  }
0x14a: {  	v10 =	vadd.f32 v9, v10;
	v0 =	vld [tilespmem:s0+$0x117C0];
	v9 =	vadd.f32 v12, v13  }
0x14b: {  	v1 =	vld [tilespmem:s0+$0x117D0]  }
0x14c: {  	v13 =	vld [tilespmem:s0+$0x11700]  }
0x14d: {  	v15 =	vld [tilespmem:s0+$0x11710]  }
0x14e: {  	v12 =	vld [tilespmem:s0+$0x11720]  }
0x14f: {  	v14 =	vld [tilespmem:s0+$0x11730]  }
0x150: {  	v2 =	vld [tilespmem:s0+$0x11740]  }
0x151: {  	v7 =	vld [tilespmem:s0+$0x11750]  }
0x152: {  	v20 =	vld [tilespmem:s0+$0x11680]  }
0x153: {  	v22 =	vld [tilespmem:s0+$0x11690]  }
0x154: {  	v17 =	vld [tilespmem:s0+$0x11600]  }
0x155: {  	v18 =	vld [tilespmem:s0+$0x11610]  }
0x156: {  	v19 =	vld [tilespmem:s0+$0x11620]  }
0x157: {  	v21 =	vld [tilespmem:s0+$0x11630]  }
0x158: {  	v25 =	vld [tilespmem:s0+$0x116A0]  }
0x159: {  	v28 =	vld [tilespmem:s0+$0x116B0]  }
.Ltmp3:
0x15a: {  	v16 =	vld [tilespmem:s0+$0x116C0];
	(pc) =	sbr.rel @p0 .LBB2_9-.Ltmp3, $4  }
0x15b: {  	v23 =	vadd.f32 v17, v23;
	v24 =	vadd.f32 v18, v24;
	v17 =	vld [tilespmem:s0+$0x116D0]  }
0x15c: {  	v26 =	vadd.f32 v19, v26;
	v27 =	vadd.f32 v21, v27;
	v18 =	vld [tilespmem:s0+$0x11640]  }
0x15d: {  	v21 =	vadd.f32 v20, v23;
	v22 =	vadd.f32 v22, v24;
	v19 =	vld [tilespmem:s0+$0x11650]  }
0x15e: {  	s1 =	sadd.s32 $0x800, s1;
	v23 =	vadd.f32 v25, v26;
	v20 =	vld [tilespmem:s0+$0x11660];
	v24 =	vadd.f32 v28, v27  }
0x15f: {  	v13 =	vadd.f32 v13, v21;
	v15 =	vadd.f32 v15, v22  }
0x160: {  	v51 =	vld [tilespmem:s0+$0x11670];
	v12 =	vadd.f32 v12, v23;
	v14 =	vadd.f32 v14, v24  }
0x161: {  	v52 =	vld [tilespmem:s0+$0x116E0];
	v3 =	vadd.f32 v3, v13;
	v4 =	vadd.f32 v4, v15  }
0x162: {  	v53 =	vld [tilespmem:s0+$0x116F0];
	v8 =	vadd.f32 v18, v8;
	v5 =	vadd.f32 v5, v12  }
0x163: {  	v54 =	vld [tilespmem:s0+$0x11760];
	v6 =	vadd.f32 v6, v14;
	v11 =	vadd.f32 v19, v11  }
0x164: {  	v55 =	vld [tilespmem:s0+$0x11770];
	v10 =	vadd.f32 v20, v10;
	v8 =	vadd.f32 v16, v8  }
0x165: {  	v56 =	vld [tilespmem:s0+$0x117E0];
	v9 =	vadd.f32 v51, v9;
	v11 =	vadd.f32 v17, v11  }
0x166: {  	v57 =	vld [tilespmem:s0+$0x117F0];
	v10 =	vadd.f32 v52, v10;
	v2 =	vadd.f32 v2, v8  }
0x167: {  	v58 =	vadd.f32 v53, v9;
	v7 =	vadd.f32 v7, v11  }
0x168: {  	v59 =	vadd.f32 v54, v10;
	v0 =	vadd.f32 v0, v2  }
0x169: {  	s30 =	sadd.s32 $0x1, s30;
	v60 =	vadd.f32 v55, v58;
	v1 =	vadd.f32 v1, v7  }
0x16a: {  	s31 =	sshll.u32 s31, $0x6;
	p0 =	sne.s32 s30, $0x20;
	v61 =	vadd.f32 v56, v59;
	v0 =	vadd.f32 v0, v3  }
.Ltmp4:
0x16b: {  	s0 =	sand.u32 $0x3FFFFFC0, s31;
	v2 =	vadd.f32 v57, v60;
	v1 =	vadd.f32 v1, v4;
	(pc) =	sbr.rel @p0 .LBB2_2-.Ltmp4, $4  }
0x16c: {  	[tilespmem:s0+$0x14800] =	vst v0;
	v62 =	vadd.f32 v61, v5  }
0x16d: {  	[tilespmem:s0+$0x14810] =	vst v1;
	v63 =	vadd.f32 v2, v6  }
0x16e: {  	[tilespmem:s0+$0x14820] =	vst v62  }
0x16f: {  	[tilespmem:s0+$0x14830] =	vst v63  }
0x170: {  	_ =	swait.ge [sflag:s23], $0x2000  }
0x171: {  	[sflag:s23] =	ssyncset.done $0x0  }
0x172: {  	[sflag:s23] =	ssyncadd.s32 $0xFFFFE000  }
0x173: {  	_ =	swait.ge [sflag:s23], $0x1200  }
0x174: {  	[sflag:s23] =	ssyncset.done $0x0  }
0x175: {  	[sflag:s23] =	ssyncadd.s32 $0xFFFFEE00  }
0x176: {  	_ =	swait.ge [sflag:s24], $0x2000  }
0x177: {  	[sflag:s24] =	ssyncset.done $0x0  }
0x178: {  	[sflag:s24] =	ssyncadd.s32 $0xFFFFE000  }
0x179: {  	_ =	swait.ge [sflag:s24], $0x1200  }
0x17a: {  	[sflag:s24] =	ssyncset.done $0x0  }
0x17b: {  	[sflag:s24] =	ssyncadd.s32 $0xFFFFEE00  }
0x17c: {  	_ =	swait.ge [sflag:s25], $0x2000  }
0x17d: {  	[sflag:s25] =	ssyncset.done $0x0  }
0x17e: {  	[sflag:s25] =	ssyncadd.s32 $0xFFFFE000  }
0x17f: {  	s29 =	sadd.s32 $0x1, s29;
	_ =	swait.ge [sflag:s25], $0x1200  }
0x180: {  	p0 =	sne.s32 s29, s7;
	[sflag:s25] =	ssyncset.done $0x0  }
.Ltmp5:
0x181: {  	[sflag:s25] =	ssyncadd.s32 $0xFFFFEE00;
	(pc) =	sbr.rel @p0 .LBB2_1-.Ltmp5, $4  }
0x182: {  	[hbm4b:s6+s2] =	stream.linear.scatter [tilespmem:s28], [sflag:$0x5], $0x2000, $0x38;
	[tilespmem:$0x16800] =	vst v63  }
0x183: {  	_ =	swait.ge [sflag:s8], $0x2000  }
0x184: {  	[sflag:s8] =	ssyncset.done $0x0  }
0x185: {  	[sflag:s8] =	ssyncadd.s32 $0xFFFFE000  }
0x186: {  	_ =	sfence.sel $0x180000  }
0x187: {  	[bflag:$0x0] =	sbarrier.arrive $0xFFFF  }
0x188: {  	_ =	strace $0x90000047  }
0x189: {  	s0 =	stileid.u32;
	[bflag:$0x2] =	sbarrier.arrive $0xFFFF  }
0x18a: {  	p0 =	sne.s32 s0, $0x0;
	s0 =	rddreg [dreg:$0x1]  }
0x18b: {  	s0 =	sadd.s32 @!p0 $0x100000, s0  }
0x18c: {  	[sflag:s0] =	ssyncadd.tile.s32 @!p0 $0x1;
	_ =	shalt  }
.Lfunc_end2:
_tile_overlayer_lowered:
.L_overlay_start_2:
0x18d: {  	(tag) =	ssettag $0x2  }
0x18e: {  	s0 =	rddreg [dreg:$0x0];
	s2 =	stileid.u32  }
0x18f: {  	s1 =	rddreg [dreg:$0x1];
	p0 =	sne.s32 s2, $0x0  }
0x190: {  	s3 =	rddreg [dreg:$0x2];
	[bflag:$0x3] =	sbarrier.arrive $0xFFFF;
	s2 =	simm.s32 @!p0 $0x1C05  }
0x191: {  	[timem:s3], [sflag:s2] =	dma.local @!p0 [hbm:s0], s1  }
0x192: {  	s0 =	simm.s32 @!p0 $0x5  }
0x193: {  	_ =	swait.ge @!p0 [sflag:s0], s1  }
0x194: {  	s1 =	ssub.s32 @!p0 $0x0, s1;
	[sflag:s0] =	ssyncset.done @!p0 $0x0  }
0x195: {  	[sflag:s0] =	ssyncadd.s32 @!p0 s1  }
0x196: {  	[bflag:$0x3] =	sbarrier.arrive $0xFFFF  }
0x197: {  	_ =	shalt  }

</sc_bundles>
